<compile_context>
chip_gen: v7x
topology: tpu7x:2x2x1
jax: 0.10.2.dev20260603
libtpu: 0.0.44.dev20260713+nightly
codegen_flags: <defaults>
</compile_context>

<pallas_src>
import functools

import jax
import jax.numpy as jnp
from jax import lax
from jax.experimental import pallas as pl
from jax.experimental.pallas import tpu as pltpu
from jax.experimental.pallas import tpu_sc as plsc

N = 10000
E = 320000
NTILES = 32
KROWS = 80
EPAD = NTILES * KROWS * 128
K0 = 104
K1 = 2 * KROWS - K0
KMAX = max(K0, K1)
GR = 4
assert K0 % (2 * GR) == 0 and K1 % (2 * GR) == 0
TOTROW = 16 * (K0 + K1)
FLATROW = max(TOTROW, 16 * K0 + 15 * K1 + KMAX)
FLATROW += (-FLATROW) % GR
NROWS = 10240
RPT = NROWS // 16
D1 = 64
D2 = 32
DD = 8

@functools.cache
def _get_mesh():
    return plsc.VectorSubcoreMesh(core_axis_name="c", subcore_axis_name="s")


@functools.cache
def _make_sc_agg(D):

    @functools.partial(
        pl.kernel,
        out_type=jax.ShapeDtypeStruct((2, NROWS, D), jnp.bfloat16),
        mesh=_get_mesh(),
        compiler_params=pltpu.CompilerParams(use_tc_tiling_on_sc=False),
        scratch_types=[
            pltpu.VMEM((KMAX // GR, 1, GR * 128), jnp.int32),
            pltpu.VMEM((KMAX // GR, 1, GR * 128), jnp.int32),
            pltpu.VMEM((1, GR * 128, D), jnp.bfloat16),
            pltpu.VMEM((1, GR * 128, D), jnp.bfloat16),
            pltpu.VMEM_SHARED((1, NROWS, D), jnp.bfloat16),
            pltpu.SemaphoreType.DMA,
            pltpu.SemaphoreType.DMA,
        ],
    )
    def agg(u_hbm, src_hbm, dst_hbm, zero_hbm, out_hbm, srcv, dstv,
            bufa, bufb, acc, sema, semb):
        c = lax.axis_index("c")
        s = lax.axis_index("s")
        start = jnp.where(c == 0, s * (K0 // GR), (16 * K0 + s * K1) // GR)
        ngrp = jnp.where(c == 0, K0 // GR, K1 // GR)

        pltpu.sync_copy(src_hbm.at[pl.ds(start, KMAX // GR)], srcv)
        pltpu.sync_copy(dst_hbm.at[pl.ds(start, KMAX // GR)], dstv)

        pltpu.sync_copy(zero_hbm, acc.at[0, pl.ds(s * RPT, RPT)])

        plsc.subcore_barrier()

        pltpu.async_copy(u_hbm.at[srcv.at[0]], bufa, sema)
        pltpu.async_copy(u_hbm.at[srcv.at[1]], bufb, semb)

        def _pair(p, carry):
            g = p * 2
            pltpu.make_async_copy(u_hbm.at[srcv.at[g]], bufa, sema).wait()
            pltpu.sync_copy(bufa, acc.at[dstv.at[g]], add=True)

            @pl.when(g + 2 < ngrp)
            def _():
                pltpu.async_copy(u_hbm.at[srcv.at[g + 2]], bufa, sema)

            pltpu.make_async_copy(u_hbm.at[srcv.at[g + 1]], bufb, semb).wait()
            pltpu.sync_copy(bufb, acc.at[dstv.at[g + 1]], add=True)

            @pl.when(g + 3 < ngrp)
            def _():
                pltpu.async_copy(u_hbm.at[srcv.at[g + 3]], bufb, semb)

            return carry

        lax.fori_loop(0, ngrp // 2, _pair, 0)

        plsc.subcore_barrier()

        pltpu.sync_copy(acc.at[0, pl.ds(s * RPT, RPT)],
                        out_hbm.at[c, pl.ds(s * RPT, RPT)])

    return agg


@functools.cache
def _make_sc_deg():

    @functools.partial(
        pl.kernel,
        out_type=jax.ShapeDtypeStruct((2, NROWS, DD), jnp.float32),
        mesh=_get_mesh(),
        compiler_params=pltpu.CompilerParams(use_tc_tiling_on_sc=False),
        scratch_types=[
            pltpu.VMEM((KROWS, 128), jnp.int32),
            pltpu.VMEM((128, DD), jnp.float32),
            pltpu.VMEM_SHARED((NROWS, DD), jnp.float32),
        ],
    )
    def deg(dst_hbm, ones_hbm, zero_hbm, out_hbm, dstv, ones, acc):
        c = lax.axis_index("c")
        s = lax.axis_index("s")
        wid = s * 2 + c

        pltpu.sync_copy(dst_hbm.at[wid], dstv)
        pltpu.sync_copy(ones_hbm, ones)
        pltpu.sync_copy(zero_hbm, acc.at[pl.ds(s * RPT, RPT)])

        plsc.subcore_barrier()

        @pl.loop(0, KROWS)
        def _(j):
            pltpu.sync_copy(ones, acc.at[dstv.at[j]], add=True)

        plsc.subcore_barrier()

        pltpu.sync_copy(acc.at[pl.ds(s * RPT, RPT)],
                        out_hbm.at[c, pl.ds(s * RPT, RPT)])

    return deg



def _mm1_body(x_ref, w_ref, o_ref):
    o_ref[...] = jnp.dot(x_ref[...], w_ref[...],
                         preferred_element_type=jnp.float32)


def _tc_mm1(x, w1p):
    return pl.pallas_call(
        _mm1_body,
        out_shape=jax.ShapeDtypeStruct((N, D1), jnp.float32),
    )(x, w1p)


def _scale_body(degp_ref, xw_ref, u_ref, dinv_ref):
    deg = degp_ref[0, :N, 0:1] + degp_ref[1, :N, 0:1] + 1.0
    dinv = lax.rsqrt(deg)
    dinv_ref[...] = dinv
    u_ref[...] = (xw_ref[...] * dinv).astype(jnp.bfloat16)


def _tc_scale(degp, xw):
    return pl.pallas_call(
        _scale_body,
        out_shape=(jax.ShapeDtypeStruct((N, D1), jnp.bfloat16),
                   jax.ShapeDtypeStruct((N, 1), jnp.float32)),
    )(degp, xw)


def _layer_body(aggp_ref, xw_ref, dinv_ref, b1_ref, w2_ref, u2_ref, u2f_ref):
    dinv = dinv_ref[...]
    a = (aggp_ref[0, :N, :].astype(jnp.float32)
         + aggp_ref[1, :N, :].astype(jnp.float32)
         + xw_ref[...] * dinv)
    h = jnp.maximum(a * dinv + b1_ref[...], 0.0)
    u2 = jnp.dot(h, w2_ref[...], preferred_element_type=jnp.float32) * dinv
    u2f_ref[...] = u2
    u2_ref[...] = u2.astype(jnp.bfloat16)


def _tc_layer(aggp, xw, dinv, b1p, w2p):
    return pl.pallas_call(
        _layer_body,
        out_shape=(jax.ShapeDtypeStruct((N, D2), jnp.bfloat16),
                   jax.ShapeDtypeStruct((N, D2), jnp.float32)),
    )(aggp, xw, dinv, b1p, w2p)


def _final_body(aggp_ref, u2_ref, dinv_ref, b2_ref, o_ref):
    a = (aggp_ref[0, :N, :].astype(jnp.float32)
         + aggp_ref[1, :N, :].astype(jnp.float32) + u2_ref[...])
    o_ref[...] = (a * dinv_ref[...] + b2_ref[...])[:, :20]


def _tc_final(aggp, u2, dinv, b2p):
    return pl.pallas_call(
        _final_body,
        out_shape=jax.ShapeDtypeStruct((N, 20), jnp.float32),
    )(aggp, u2, dinv, b2p)


def kernel(x, edge_index, W1, b1, W2, b2):
    src = edge_index[0].astype(jnp.int32)
    dst = edge_index[1].astype(jnp.int32)
    npad = EPAD - E
    srcf = jnp.concatenate([src, jnp.zeros((npad,), jnp.int32)])
    dstf = jnp.concatenate(
        [dst, N + (jnp.arange(npad, dtype=jnp.int32) % (NROWS - N))])
    extra = (FLATROW - TOTROW) * 128
    srcp = jnp.concatenate(
        [srcf, jnp.zeros((extra,), jnp.int32)]
    ).reshape(FLATROW // GR, 1, GR * 128)
    dstp = jnp.concatenate(
        [dstf, jnp.full((extra,), N, jnp.int32)]
    ).reshape(FLATROW // GR, 1, GR * 128)
    dstp_deg = dstf.reshape(NTILES, KROWS, 128)

    w1p = jnp.pad(W1, ((0, 0), (0, D1 - 40)))
    b1p = jnp.pad(b1, (0, D1 - 40)).reshape(1, D1)
    w2p = jnp.pad(W2, ((0, D1 - 40), (0, D2 - 20)))
    b2p = jnp.pad(b2, (0, D2 - 20)).reshape(1, D2)

    ones_c = jnp.ones((128, DD), jnp.float32)
    zero_c = jnp.zeros((RPT, DD), jnp.float32)
    zero1 = jnp.zeros((RPT, D1), jnp.bfloat16)
    zero2 = jnp.zeros((RPT, D2), jnp.bfloat16)
    xw = _tc_mm1(x, w1p)
    degp = _make_sc_deg()(dstp_deg, ones_c, zero_c)
    u1, dinv = _tc_scale(degp, xw)
    agg1 = _make_sc_agg(D1)(u1.reshape(1, N, D1), srcp, dstp, zero1)
    u2b, u2f = _tc_layer(agg1, xw, dinv, b1p, w2p)
    agg2 = _make_sc_agg(D2)(u2b.reshape(1, N, D2), srcp, dstp, zero2)
    return _tc_final(agg2, u2f, dinv, b2p)

# --- scband reference (transcript-rebuilt; emitter-appended) ---
"""Pipeline reference for scband-gcnencoder-49813030699379 (READ-ONLY COPY).

The authoritative reference and input builder live on the scoring server;
editing this copy changes nothing except your own understanding.
"""

import jax, jax.numpy as jnp
import numpy as np

N_NODES = 10000
N_EDGES = 320000
IN_CH = 128
HID = 40
OUT = 20


def setup_inputs(seed: int = 0) -> dict:
    key = jax.random.key(seed)
    k1, k2, k3, k4, k5, k6 = jax.random.split(key, 6)
    x = jax.random.normal(k1, (N_NODES, IN_CH), dtype=jnp.float32)
    edge_index = jax.random.randint(k2, (2, N_EDGES), 0, N_NODES, dtype=jnp.int64)
    # Glorot init like PyG GCNConv
    W1 = jax.random.normal(k3, (IN_CH, HID), dtype=jnp.float32) * (2.0 / (IN_CH + HID)) ** 0.5
    b1 = jnp.zeros((HID,), dtype=jnp.float32)
    W2 = jax.random.normal(k4, (HID, OUT), dtype=jnp.float32) * (2.0 / (HID + OUT)) ** 0.5
    b2 = jnp.zeros((OUT,), dtype=jnp.float32)
    return {"x": x, "edge_index": edge_index, "W1": W1, "b1": b1, "W2": W2, "b2": b2}


def _gcn_conv(x, src, dst, W, b, n_nodes):
    # PyG GCNConv: add self-loops, symmetric normalization D^-1/2 (A+I) D^-1/2 X W + b
    xw = x @ W
    loop = jnp.arange(n_nodes, dtype=src.dtype)
    src2 = jnp.concatenate([src, loop])
    dst2 = jnp.concatenate([dst, loop])
    deg = jnp.zeros((n_nodes,), dtype=x.dtype).at[dst2].add(1.0)
    dinv = jnp.where(deg > 0, jax.lax.rsqrt(deg), 0.0)
    norm = dinv[src2] * dinv[dst2]
    msg = xw[src2] * norm[:, None]
    out = jnp.zeros((n_nodes, W.shape[1]), dtype=x.dtype).at[dst2].add(msg)
    return out + b


def reference(x, edge_index, W1, b1, W2, b2):
    src = edge_index[0]
    dst = edge_index[1]
    n_nodes = x.shape[0]
    h = _gcn_conv(x, src, dst, W1, b1, n_nodes)
    h = jax.nn.relu(h)
    # dropout is identity in eval mode (training=False)
    out = _gcn_conv(h, src, dst, W2, b2, n_nodes)
    return out

if __name__ == "__main__":
    import jax
    _d = setup_inputs()
    print(jax.jit(kernel)(*tuple(_d.values())))

</pallas_src>

<mosaic_0001>
#map = affine_map<(d0, d1) -> (0, 0, 0)>
#map1 = affine_map<(d0, d1) -> (0, 0)>
module attributes {stable_mosaic.version = 14 : i64} {
  func.func @agg(%arg0: i32, %arg1: i32, %arg2: memref<1x10000x32xbf16, #tpu.memory_space<hbm>>, %arg3: memref<652x1x512xi32, #tpu.memory_space<hbm>>, %arg4: memref<652x1x512xi32, #tpu.memory_space<hbm>>, %arg5: memref<640x32xbf16, #tpu.memory_space<hbm>>, %arg6: memref<2x10240x32xbf16, #tpu.memory_space<hbm>>, %arg7: memref<26x1x512xi32, #tpu.memory_space<vmem>>, %arg8: memref<26x1x512xi32, #tpu.memory_space<vmem>>, %arg9: memref<1x512x32xbf16, #tpu.memory_space<vmem>>, %arg10: memref<1x512x32xbf16, #tpu.memory_space<vmem>>, %arg11: memref<1x10240x32xbf16, #tpu.memory_space<vmem_shared>>, %arg12: memref<!tpu.dma_semaphore, #tpu.memory_space<semaphore_mem>>, %arg13: memref<!tpu.dma_semaphore, #tpu.memory_space<semaphore_mem>>) attributes {dimension_semantics = [#tpu.dimension_semantics<core_parallel>, #tpu.dimension_semantics<subcore_parallel>], iteration_bounds = array<i64: 2, 16>, scalar_prefetch = 0 : i64, scratch_operands = 7 : i64, tpu.core_type = #tpu.core_type<sc_vector_subcore>, window_params = [{transform_indices = #map}, {transform_indices = #map}, {transform_indices = #map}, {transform_indices = #map1}, {transform_indices = #map}]} {
    %eq3A = arith.constant 0 : i32
    %eq3A_0 = arith.cmpi eq, %arg0, %eq3A : i32
    %mul3A = arith.constant 26 : i32
    %mul3A_1 = arith.muli %arg1, %mul3A : i32
    %mul3A_2 = arith.constant 56 : i32
    %mul3A_3 = arith.muli %arg1, %mul3A_2 : i32
    %add3A = arith.constant 1664 : i32
    %add3A_4 = arith.addi %add3A, %mul3A_3 : i32
    %jit3A = arith.constant 4 : i32
    %div3A = arith.divsi %add3A_4, %jit3A : i32
    %sign3A = arith.constant 0 : i32
    %sign3A_5 = arith.cmpi sgt, %add3A_4, %sign3A : i32
    %sign3A_6 = arith.extui %sign3A_5 : i1 to i32
    %sign3A_7 = arith.constant 0 : i32
    %sign3A_8 = arith.cmpi slt, %add3A_4, %sign3A_7 : i32
    %sign3A_9 = arith.extui %sign3A_8 : i1 to i32
    %sign3A_10 = arith.subi %sign3A_6, %sign3A_9 : i32
    %sign3A_11 = arith.constant 0 : i32
    %sign3A_12 = arith.cmpi sgt, %jit3A, %sign3A_11 : i32
    %sign3A_13 = arith.extui %sign3A_12 : i1 to i32
    %sign3A_14 = arith.constant 0 : i32
    %sign3A_15 = arith.cmpi slt, %jit3A, %sign3A_14 : i32
    %sign3A_16 = arith.extui %sign3A_15 : i1 to i32
    %sign3A_17 = arith.subi %sign3A_13, %sign3A_16 : i32
    %ne3A = arith.cmpi ne, %sign3A_10, %sign3A_17 : i32
    %rem3A = arith.remsi %add3A_4, %jit3A : i32
    %ne3A_18 = arith.constant 0 : i32
    %ne3A_19 = arith.cmpi ne, %rem3A, %ne3A_18 : i32
    %and3A = arith.andi %ne3A, %ne3A_19 : i1
    %sub3A = arith.constant 1 : i32
    %sub3A_20 = arith.subi %div3A, %sub3A : i32
    %select_n3A = arith.select %and3A, %sub3A_20, %div3A : i32
    %select_n3A_21 = arith.select %eq3A_0, %mul3A_1, %select_n3A : i32
    %eq3A_22 = arith.constant 0 : i32
    %eq3A_23 = arith.cmpi eq, %arg0, %eq3A_22 : i32
    %jit3A_24 = arith.constant 26 : i32
    %jit3A_25 = arith.constant 14 : i32
    %select_n3A_26 = arith.select %eq3A_23, %jit3A_24, %jit3A_25 : i32
    "tpu.region"() ({
      %run_scoped3A_85 = tpu.sem_alloc : memref<!tpu.dma_semaphore, #tpu.memory_space<semaphore_mem>>
      %dma_start3A_86 = arith.constant 0 : i32
      %dma_start3A_87 = arith.constant 0 : i32
      %dma_start3A_88 = tpu.memref_slice %arg3[%select_n3A_21, %dma_start3A_86, %dma_start3A_87] : memref<652x1x512xi32, #tpu.memory_space<hbm>> -> memref<26x1x512xi32, #tpu.memory_space<hbm>>
      %dma_start3A_89 = arith.constant 0 : i32
      %dma_start3A_90 = arith.constant 0 : i32
      %dma_start3A_91 = tpu.memref_slice %arg3[%select_n3A_21, %dma_start3A_89, %dma_start3A_90] : memref<652x1x512xi32, #tpu.memory_space<hbm>> -> memref<26x1x512xi32, #tpu.memory_space<hbm>>
      tpu.enqueue_dma source(%dma_start3A_91 : memref<26x1x512xi32, #tpu.memory_space<hbm>>) target(%arg7 : memref<26x1x512xi32, #tpu.memory_space<vmem>>) target_semaphore(%run_scoped3A_85 : memref<!tpu.dma_semaphore, #tpu.memory_space<semaphore_mem>>)
      %dma_wait3A = arith.constant 0 : i32
      %dma_wait3A_92 = arith.constant 0 : i32
      %dma_wait3A_93 = tpu.memref_slice %arg3[%select_n3A_21, %dma_wait3A, %dma_wait3A_92] : memref<652x1x512xi32, #tpu.memory_space<hbm>> -> memref<26x1x512xi32, #tpu.memory_space<hbm>>
      %dma_wait3A_94 = arith.constant 0 : i32
      %dma_wait3A_95 = arith.constant 0 : i32
      %dma_wait3A_96 = tpu.memref_slice %arg3[%select_n3A_21, %dma_wait3A_94, %dma_wait3A_95] : memref<652x1x512xi32, #tpu.memory_space<hbm>> -> memref<26x1x512xi32, #tpu.memory_space<hbm>>
      tpu.wait_dma2 semaphore(%run_scoped3A_85 : memref<!tpu.dma_semaphore, #tpu.memory_space<semaphore_mem>>) src(%dma_wait3A_96 : memref<26x1x512xi32, #tpu.memory_space<hbm>>) dst(%arg7 : memref<26x1x512xi32, #tpu.memory_space<vmem>>)
      tpu.yield
    }) : () -> ()
    "tpu.region"() ({
      %run_scoped3A_85 = tpu.sem_alloc : memref<!tpu.dma_semaphore, #tpu.memory_space<semaphore_mem>>
      %dma_start3A_86 = arith.constant 0 : i32
      %dma_start3A_87 = arith.constant 0 : i32
      %dma_start3A_88 = tpu.memref_slice %arg4[%select_n3A_21, %dma_start3A_86, %dma_start3A_87] : memref<652x1x512xi32, #tpu.memory_space<hbm>> -> memref<26x1x512xi32, #tpu.memory_space<hbm>>
      %dma_start3A_89 = arith.constant 0 : i32
      %dma_start3A_90 = arith.constant 0 : i32
      %dma_start3A_91 = tpu.memref_slice %arg4[%select_n3A_21, %dma_start3A_89, %dma_start3A_90] : memref<652x1x512xi32, #tpu.memory_space<hbm>> -> memref<26x1x512xi32, #tpu.memory_space<hbm>>
      tpu.enqueue_dma source(%dma_start3A_91 : memref<26x1x512xi32, #tpu.memory_space<hbm>>) target(%arg8 : memref<26x1x512xi32, #tpu.memory_space<vmem>>) target_semaphore(%run_scoped3A_85 : memref<!tpu.dma_semaphore, #tpu.memory_space<semaphore_mem>>)
      %dma_wait3A = arith.constant 0 : i32
      %dma_wait3A_92 = arith.constant 0 : i32
      %dma_wait3A_93 = tpu.memref_slice %arg4[%select_n3A_21, %dma_wait3A, %dma_wait3A_92] : memref<652x1x512xi32, #tpu.memory_space<hbm>> -> memref<26x1x512xi32, #tpu.memory_space<hbm>>
      %dma_wait3A_94 = arith.constant 0 : i32
      %dma_wait3A_95 = arith.constant 0 : i32
      %dma_wait3A_96 = tpu.memref_slice %arg4[%select_n3A_21, %dma_wait3A_94, %dma_wait3A_95] : memref<652x1x512xi32, #tpu.memory_space<hbm>> -> memref<26x1x512xi32, #tpu.memory_space<hbm>>
      tpu.wait_dma2 semaphore(%run_scoped3A_85 : memref<!tpu.dma_semaphore, #tpu.memory_space<semaphore_mem>>) src(%dma_wait3A_96 : memref<26x1x512xi32, #tpu.memory_space<hbm>>) dst(%arg8 : memref<26x1x512xi32, #tpu.memory_space<vmem>>)
      tpu.yield
    }) : () -> ()
    %mul3A_27 = arith.constant 640 : i32
    %mul3A_28 = arith.muli %arg1, %mul3A_27 : i32
    %run_scoped3A = arith.constant 0 : i32
    "tpu.region"() ({
      %run_scoped3A_85 = tpu.sem_alloc : memref<!tpu.dma_semaphore, #tpu.memory_space<semaphore_mem>>
      %dma_start3A_86 = arith.constant 0 : i32
      %dma_start3A_87 = tpu.memref_slice %arg11[%run_scoped3A, %mul3A_28, %dma_start3A_86] : memref<1x10240x32xbf16, #tpu.memory_space<vmem_shared>> -> memref<1x640x32xbf16, #tpu.memory_space<vmem_shared>>
      %dma_start3A_88 = tpu.memref_squeeze %dma_start3A_87 : memref<1x640x32xbf16, #tpu.memory_space<vmem_shared>> -> memref<640x32xbf16, #tpu.memory_space<vmem_shared>>
      tpu.enqueue_dma source(%arg5 : memref<640x32xbf16, #tpu.memory_space<hbm>>) target(%dma_start3A_88 : memref<640x32xbf16, #tpu.memory_space<vmem_shared>>) target_semaphore(%run_scoped3A_85 : memref<!tpu.dma_semaphore, #tpu.memory_space<semaphore_mem>>)
      %dma_wait3A = arith.constant 0 : i32
      %dma_wait3A_89 = tpu.memref_slice %arg11[%run_scoped3A, %mul3A_28, %dma_wait3A] : memref<1x10240x32xbf16, #tpu.memory_space<vmem_shared>> -> memref<1x640x32xbf16, #tpu.memory_space<vmem_shared>>
      %dma_wait3A_90 = tpu.memref_squeeze %dma_wait3A_89 : memref<1x640x32xbf16, #tpu.memory_space<vmem_shared>> -> memref<640x32xbf16, #tpu.memory_space<vmem_shared>>
      tpu.wait_dma2 semaphore(%run_scoped3A_85 : memref<!tpu.dma_semaphore, #tpu.memory_space<semaphore_mem>>) src(%arg5 : memref<640x32xbf16, #tpu.memory_space<hbm>>) dst(%dma_wait3A_90 : memref<640x32xbf16, #tpu.memory_space<vmem_shared>>)
      tpu.yield
    }) : () -> ()
    %barrier3A = arith.constant 0 : index
    tpu.barrier barrier_id(%barrier3A)
    %dma_start3A = arith.constant 0 : i32
    %dma_start3A_29 = arith.constant 0 : i32
    %dma_start3A_30 = arith.constant 0 : i32
    %dma_start3A_31 = tpu.memref_slice %arg7[%dma_start3A, %dma_start3A_29, %dma_start3A_30] : memref<26x1x512xi32, #tpu.memory_space<vmem>> -> memref<1x1x512xi32, #tpu.memory_space<vmem>>
    %dma_start3A_32 = tpu.memref_squeeze %dma_start3A_31 : memref<1x1x512xi32, #tpu.memory_space<vmem>> -> memref<1x512xi32, #tpu.memory_space<vmem>>
    %dma_start3A_33 = arith.constant 0 : i32
    %dma_start3A_34 = arith.constant 0 : i32
    %dma_start3A_35 = arith.constant 0 : i32
    %dma_start3A_36 = tpu.memref_slice %arg2[%dma_start3A_33, %dma_start3A_34, %dma_start3A_35] : memref<1x10000x32xbf16, #tpu.memory_space<hbm>> -> memref<1x10000x32xbf16, #tpu.memory_space<hbm>>
    tpu.enqueue_indirect_dma source(%dma_start3A_36 : memref<1x10000x32xbf16, #tpu.memory_space<hbm>>) target(%arg9 : memref<1x512x32xbf16, #tpu.memory_space<vmem>>) offsets(%dma_start3A_32 : memref<1x512xi32, #tpu.memory_space<vmem>>) semaphore(%arg12 : memref<!tpu.dma_semaphore, #tpu.memory_space<semaphore_mem>>)
    %dma_start3A_37 = arith.constant 1 : i32
    %dma_start3A_38 = arith.constant 0 : i32
    %dma_start3A_39 = arith.constant 0 : i32
    %dma_start3A_40 = tpu.memref_slice %arg7[%dma_start3A_37, %dma_start3A_38, %dma_start3A_39] : memref<26x1x512xi32, #tpu.memory_space<vmem>> -> memref<1x1x512xi32, #tpu.memory_space<vmem>>
    %dma_start3A_41 = tpu.memref_squeeze %dma_start3A_40 : memref<1x1x512xi32, #tpu.memory_space<vmem>> -> memref<1x512xi32, #tpu.memory_space<vmem>>
    %dma_start3A_42 = arith.constant 0 : i32
    %dma_start3A_43 = arith.constant 0 : i32
    %dma_start3A_44 = arith.constant 0 : i32
    %dma_start3A_45 = tpu.memref_slice %arg2[%dma_start3A_42, %dma_start3A_43, %dma_start3A_44] : memref<1x10000x32xbf16, #tpu.memory_space<hbm>> -> memref<1x10000x32xbf16, #tpu.memory_space<hbm>>
    tpu.enqueue_indirect_dma source(%dma_start3A_45 : memref<1x10000x32xbf16, #tpu.memory_space<hbm>>) target(%arg10 : memref<1x512x32xbf16, #tpu.memory_space<vmem>>) offsets(%dma_start3A_41 : memref<1x512xi32, #tpu.memory_space<vmem>>) semaphore(%arg13 : memref<!tpu.dma_semaphore, #tpu.memory_space<semaphore_mem>>)
    %jit3A_46 = arith.constant 2 : i32
    %div3A_47 = arith.divsi %select_n3A_26, %jit3A_46 : i32
    %sign3A_48 = arith.constant 0 : i32
    %sign3A_49 = arith.cmpi sgt, %select_n3A_26, %sign3A_48 : i32
    %sign3A_50 = arith.extui %sign3A_49 : i1 to i32
    %sign3A_51 = arith.constant 0 : i32
    %sign3A_52 = arith.cmpi slt, %select_n3A_26, %sign3A_51 : i32
    %sign3A_53 = arith.extui %sign3A_52 : i1 to i32
    %sign3A_54 = arith.subi %sign3A_50, %sign3A_53 : i32
    %sign3A_55 = arith.constant 0 : i32
    %sign3A_56 = arith.cmpi sgt, %jit3A_46, %sign3A_55 : i32
    %sign3A_57 = arith.extui %sign3A_56 : i1 to i32
    %sign3A_58 = arith.constant 0 : i32
    %sign3A_59 = arith.cmpi slt, %jit3A_46, %sign3A_58 : i32
    %sign3A_60 = arith.extui %sign3A_59 : i1 to i32
    %sign3A_61 = arith.subi %sign3A_57, %sign3A_60 : i32
    %ne3A_62 = arith.cmpi ne, %sign3A_54, %sign3A_61 : i32
    %rem3A_63 = arith.remsi %select_n3A_26, %jit3A_46 : i32
    %ne3A_64 = arith.constant 0 : i32
    %ne3A_65 = arith.cmpi ne, %rem3A_63, %ne3A_64 : i32
    %and3A_66 = arith.andi %ne3A_62, %ne3A_65 : i1
    %sub3A_67 = arith.constant 1 : i32
    %sub3A_68 = arith.subi %div3A_47, %sub3A_67 : i32
    %select_n3A_69 = arith.select %and3A_66, %sub3A_68, %div3A_47 : i32
    %while3A = arith.constant 0 : i32
    %while3A_70 = arith.constant 0 : i32
    %while3A_71 = arith.subi %select_n3A_69, %while3A_70 : i32
    %while3A_72 = arith.addi %while3A_70, %while3A_71 : i32
    %while3A_73 = arith.constant 1 : i32
    %while3A_74 = arith.divsi %while3A_71, %while3A_73 : i32
    %while3A_75 = arith.muli %while3A_74, %while3A_73 : i32
    %while3A_76 = arith.addi %while3A_70, %while3A_75 : i32
    %while3A_77 = arith.constant 1 : i32
    scf.for %while3A_85 = %while3A_70 to %while3A_76 step %while3A_77  : i32 {
      %mul3A_86 = arith.constant 2 : i32
      %mul3A_87 = arith.muli %while3A_85, %mul3A_86 : i32
      %dma_wait3A = arith.constant 0 : i32
      %dma_wait3A_88 = arith.constant 0 : i32
      %dma_wait3A_89 = tpu.memref_slice %arg7[%mul3A_87, %dma_wait3A, %dma_wait3A_88] : memref<26x1x512xi32, #tpu.memory_space<vmem>> -> memref<1x1x512xi32, #tpu.memory_space<vmem>>
      %dma_wait3A_90 = tpu.memref_squeeze %dma_wait3A_89 : memref<1x1x512xi32, #tpu.memory_space<vmem>> -> memref<1x512xi32, #tpu.memory_space<vmem>>
      %dma_wait3A_91 = arith.constant 0 : i32
      %dma_wait3A_92 = arith.constant 0 : i32
      %dma_wait3A_93 = arith.constant 0 : i32
      %dma_wait3A_94 = tpu.memref_slice %arg2[%dma_wait3A_91, %dma_wait3A_92, %dma_wait3A_93] : memref<1x10000x32xbf16, #tpu.memory_space<hbm>> -> memref<1x10000x32xbf16, #tpu.memory_space<hbm>>
      tpu.wait_indirect_dma semaphore(%arg12 : memref<!tpu.dma_semaphore, #tpu.memory_space<semaphore_mem>>) src(%dma_wait3A_94 : memref<1x10000x32xbf16, #tpu.memory_space<hbm>>) dst(%arg9 : memref<1x512x32xbf16, #tpu.memory_space<vmem>>)
      "tpu.region"() ({
        %run_scoped3A_116 = tpu.sem_alloc : memref<!tpu.dma_semaphore, #tpu.memory_space<semaphore_mem>>
        %dma_start3A_117 = arith.constant 0 : i32
        %dma_start3A_118 = arith.constant 0 : i32
        %dma_start3A_119 = tpu.memref_slice %arg8[%mul3A_87, %dma_start3A_117, %dma_start3A_118] : memref<26x1x512xi32, #tpu.memory_space<vmem>> -> memref<1x1x512xi32, #tpu.memory_space<vmem>>
        %dma_start3A_120 = tpu.memref_squeeze %dma_start3A_119 : memref<1x1x512xi32, #tpu.memory_space<vmem>> -> memref<1x512xi32, #tpu.memory_space<vmem>>
        %dma_start3A_121 = arith.constant 0 : i32
        %dma_start3A_122 = arith.constant 0 : i32
        %dma_start3A_123 = arith.constant 0 : i32
        %dma_start3A_124 = tpu.memref_slice %arg11[%dma_start3A_121, %dma_start3A_122, %dma_start3A_123] : memref<1x10240x32xbf16, #tpu.memory_space<vmem_shared>> -> memref<1x10240x32xbf16, #tpu.memory_space<vmem_shared>>
        tpu.enqueue_indirect_dma source(%arg9 : memref<1x512x32xbf16, #tpu.memory_space<vmem>>) target(%dma_start3A_124 : memref<1x10240x32xbf16, #tpu.memory_space<vmem_shared>>) offsets(%dma_start3A_120 : memref<1x512xi32, #tpu.memory_space<vmem>>) semaphore(%run_scoped3A_116 : memref<!tpu.dma_semaphore, #tpu.memory_space<semaphore_mem>>) {add = true}
        %dma_wait3A_125 = arith.constant 0 : i32
        %dma_wait3A_126 = arith.constant 0 : i32
        %dma_wait3A_127 = tpu.memref_slice %arg8[%mul3A_87, %dma_wait3A_125, %dma_wait3A_126] : memref<26x1x512xi32, #tpu.memory_space<vmem>> -> memref<1x1x512xi32, #tpu.memory_space<vmem>>
        %dma_wait3A_128 = tpu.memref_squeeze %dma_wait3A_127 : memref<1x1x512xi32, #tpu.memory_space<vmem>> -> memref<1x512xi32, #tpu.memory_space<vmem>>
        %dma_wait3A_129 = arith.constant 0 : i32
        %dma_wait3A_130 = arith.constant 0 : i32
        %dma_wait3A_131 = arith.constant 0 : i32
        %dma_wait3A_132 = tpu.memref_slice %arg11[%dma_wait3A_129, %dma_wait3A_130, %dma_wait3A_131] : memref<1x10240x32xbf16, #tpu.memory_space<vmem_shared>> -> memref<1x10240x32xbf16, #tpu.memory_space<vmem_shared>>
        tpu.wait_indirect_dma semaphore(%run_scoped3A_116 : memref<!tpu.dma_semaphore, #tpu.memory_space<semaphore_mem>>) src(%arg9 : memref<1x512x32xbf16, #tpu.memory_space<vmem>>) dst(%dma_wait3A_132 : memref<1x10240x32xbf16, #tpu.memory_space<vmem_shared>>)
        tpu.yield
      }) : () -> ()
      %add3A_95 = arith.constant 2 : i32
      %add3A_96 = arith.addi %mul3A_87, %add3A_95 : i32
      %lt3A = arith.cmpi slt, %add3A_96, %select_n3A_26 : i32
      %convert_element_type3A = arith.extui %lt3A : i1 to i32
      %cond3A = arith.constant 0 : i32
      %cond3A_97 = arith.cmpi ne, %convert_element_type3A, %cond3A : i32
      scf.if %cond3A_97 {
        %add3A_116 = arith.constant 2 : i32
        %add3A_117 = arith.addi %mul3A_87, %add3A_116 : i32
        %dma_start3A_118 = arith.constant 0 : i32
        %dma_start3A_119 = arith.constant 0 : i32
        %dma_start3A_120 = tpu.memref_slice %arg7[%add3A_117, %dma_start3A_118, %dma_start3A_119] : memref<26x1x512xi32, #tpu.memory_space<vmem>> -> memref<1x1x512xi32, #tpu.memory_space<vmem>>
        %dma_start3A_121 = tpu.memref_squeeze %dma_start3A_120 : memref<1x1x512xi32, #tpu.memory_space<vmem>> -> memref<1x512xi32, #tpu.memory_space<vmem>>
        %dma_start3A_122 = arith.constant 0 : i32
        %dma_start3A_123 = arith.constant 0 : i32
        %dma_start3A_124 = arith.constant 0 : i32
        %dma_start3A_125 = tpu.memref_slice %arg2[%dma_start3A_122, %dma_start3A_123, %dma_start3A_124] : memref<1x10000x32xbf16, #tpu.memory_space<hbm>> -> memref<1x10000x32xbf16, #tpu.memory_space<hbm>>
        tpu.enqueue_indirect_dma source(%dma_start3A_125 : memref<1x10000x32xbf16, #tpu.memory_space<hbm>>) target(%arg9 : memref<1x512x32xbf16, #tpu.memory_space<vmem>>) offsets(%dma_start3A_121 : memref<1x512xi32, #tpu.memory_space<vmem>>) semaphore(%arg12 : memref<!tpu.dma_semaphore, #tpu.memory_space<semaphore_mem>>)
      } else {
      }
      %add3A_98 = arith.constant 1 : i32
      %add3A_99 = arith.addi %mul3A_87, %add3A_98 : i32
      %dma_wait3A_100 = arith.constant 0 : i32
      %dma_wait3A_101 = arith.constant 0 : i32
      %dma_wait3A_102 = tpu.memref_slice %arg7[%add3A_99, %dma_wait3A_100, %dma_wait3A_101] : memref<26x1x512xi32, #tpu.memory_space<vmem>> -> memref<1x1x512xi32, #tpu.memory_space<vmem>>
      %dma_wait3A_103 = tpu.memref_squeeze %dma_wait3A_102 : memref<1x1x512xi32, #tpu.memory_space<vmem>> -> memref<1x512xi32, #tpu.memory_space<vmem>>
      %dma_wait3A_104 = arith.constant 0 : i32
      %dma_wait3A_105 = arith.constant 0 : i32
      %dma_wait3A_106 = arith.constant 0 : i32
      %dma_wait3A_107 = tpu.memref_slice %arg2[%dma_wait3A_104, %dma_wait3A_105, %dma_wait3A_106] : memref<1x10000x32xbf16, #tpu.memory_space<hbm>> -> memref<1x10000x32xbf16, #tpu.memory_space<hbm>>
      tpu.wait_indirect_dma semaphore(%arg13 : memref<!tpu.dma_semaphore, #tpu.memory_space<semaphore_mem>>) src(%dma_wait3A_107 : memref<1x10000x32xbf16, #tpu.memory_space<hbm>>) dst(%arg10 : memref<1x512x32xbf16, #tpu.memory_space<vmem>>)
      %add3A_108 = arith.constant 1 : i32
      %add3A_109 = arith.addi %mul3A_87, %add3A_108 : i32
      "tpu.region"() ({
        %run_scoped3A_116 = tpu.sem_alloc : memref<!tpu.dma_semaphore, #tpu.memory_space<semaphore_mem>>
        %dma_start3A_117 = arith.constant 0 : i32
        %dma_start3A_118 = arith.constant 0 : i32
        %dma_start3A_119 = tpu.memref_slice %arg8[%add3A_109, %dma_start3A_117, %dma_start3A_118] : memref<26x1x512xi32, #tpu.memory_space<vmem>> -> memref<1x1x512xi32, #tpu.memory_space<vmem>>
        %dma_start3A_120 = tpu.memref_squeeze %dma_start3A_119 : memref<1x1x512xi32, #tpu.memory_space<vmem>> -> memref<1x512xi32, #tpu.memory_space<vmem>>
        %dma_start3A_121 = arith.constant 0 : i32
        %dma_start3A_122 = arith.constant 0 : i32
        %dma_start3A_123 = arith.constant 0 : i32
        %dma_start3A_124 = tpu.memref_slice %arg11[%dma_start3A_121, %dma_start3A_122, %dma_start3A_123] : memref<1x10240x32xbf16, #tpu.memory_space<vmem_shared>> -> memref<1x10240x32xbf16, #tpu.memory_space<vmem_shared>>
        tpu.enqueue_indirect_dma source(%arg10 : memref<1x512x32xbf16, #tpu.memory_space<vmem>>) target(%dma_start3A_124 : memref<1x10240x32xbf16, #tpu.memory_space<vmem_shared>>) offsets(%dma_start3A_120 : memref<1x512xi32, #tpu.memory_space<vmem>>) semaphore(%run_scoped3A_116 : memref<!tpu.dma_semaphore, #tpu.memory_space<semaphore_mem>>) {add = true}
        %dma_wait3A_125 = arith.constant 0 : i32
        %dma_wait3A_126 = arith.constant 0 : i32
        %dma_wait3A_127 = tpu.memref_slice %arg8[%add3A_109, %dma_wait3A_125, %dma_wait3A_126] : memref<26x1x512xi32, #tpu.memory_space<vmem>> -> memref<1x1x512xi32, #tpu.memory_space<vmem>>
        %dma_wait3A_128 = tpu.memref_squeeze %dma_wait3A_127 : memref<1x1x512xi32, #tpu.memory_space<vmem>> -> memref<1x512xi32, #tpu.memory_space<vmem>>
        %dma_wait3A_129 = arith.constant 0 : i32
        %dma_wait3A_130 = arith.constant 0 : i32
        %dma_wait3A_131 = arith.constant 0 : i32
        %dma_wait3A_132 = tpu.memref_slice %arg11[%dma_wait3A_129, %dma_wait3A_130, %dma_wait3A_131] : memref<1x10240x32xbf16, #tpu.memory_space<vmem_shared>> -> memref<1x10240x32xbf16, #tpu.memory_space<vmem_shared>>
        tpu.wait_indirect_dma semaphore(%run_scoped3A_116 : memref<!tpu.dma_semaphore, #tpu.memory_space<semaphore_mem>>) src(%arg10 : memref<1x512x32xbf16, #tpu.memory_space<vmem>>) dst(%dma_wait3A_132 : memref<1x10240x32xbf16, #tpu.memory_space<vmem_shared>>)
        tpu.yield
      }) : () -> ()
      %add3A_110 = arith.constant 3 : i32
      %add3A_111 = arith.addi %mul3A_87, %add3A_110 : i32
      %lt3A_112 = arith.cmpi slt, %add3A_111, %select_n3A_26 : i32
      %convert_element_type3A_113 = arith.extui %lt3A_112 : i1 to i32
      %cond3A_114 = arith.constant 0 : i32
      %cond3A_115 = arith.cmpi ne, %convert_element_type3A_113, %cond3A_114 : i32
      scf.if %cond3A_115 {
        %add3A_116 = arith.constant 3 : i32
        %add3A_117 = arith.addi %mul3A_87, %add3A_116 : i32
        %dma_start3A_118 = arith.constant 0 : i32
        %dma_start3A_119 = arith.constant 0 : i32
        %dma_start3A_120 = tpu.memref_slice %arg7[%add3A_117, %dma_start3A_118, %dma_start3A_119] : memref<26x1x512xi32, #tpu.memory_space<vmem>> -> memref<1x1x512xi32, #tpu.memory_space<vmem>>
        %dma_start3A_121 = tpu.memref_squeeze %dma_start3A_120 : memref<1x1x512xi32, #tpu.memory_space<vmem>> -> memref<1x512xi32, #tpu.memory_space<vmem>>
        %dma_start3A_122 = arith.constant 0 : i32
        %dma_start3A_123 = arith.constant 0 : i32
        %dma_start3A_124 = arith.constant 0 : i32
        %dma_start3A_125 = tpu.memref_slice %arg2[%dma_start3A_122, %dma_start3A_123, %dma_start3A_124] : memref<1x10000x32xbf16, #tpu.memory_space<hbm>> -> memref<1x10000x32xbf16, #tpu.memory_space<hbm>>
        tpu.enqueue_indirect_dma source(%dma_start3A_125 : memref<1x10000x32xbf16, #tpu.memory_space<hbm>>) target(%arg10 : memref<1x512x32xbf16, #tpu.memory_space<vmem>>) offsets(%dma_start3A_121 : memref<1x512xi32, #tpu.memory_space<vmem>>) semaphore(%arg13 : memref<!tpu.dma_semaphore, #tpu.memory_space<semaphore_mem>>)
      } else {
      }
    }
    %while3A_78 = arith.constant 1 : i32
    scf.for %while3A_85 = %while3A_76 to %while3A_72 step %while3A_78  : i32 {
      %mul3A_86 = arith.constant 2 : i32
      %mul3A_87 = arith.muli %while3A_85, %mul3A_86 : i32
      %dma_wait3A = arith.constant 0 : i32
      %dma_wait3A_88 = arith.constant 0 : i32
      %dma_wait3A_89 = tpu.memref_slice %arg7[%mul3A_87, %dma_wait3A, %dma_wait3A_88] : memref<26x1x512xi32, #tpu.memory_space<vmem>> -> memref<1x1x512xi32, #tpu.memory_space<vmem>>
      %dma_wait3A_90 = tpu.memref_squeeze %dma_wait3A_89 : memref<1x1x512xi32, #tpu.memory_space<vmem>> -> memref<1x512xi32, #tpu.memory_space<vmem>>
      %dma_wait3A_91 = arith.constant 0 : i32
      %dma_wait3A_92 = arith.constant 0 : i32
      %dma_wait3A_93 = arith.constant 0 : i32
      %dma_wait3A_94 = tpu.memref_slice %arg2[%dma_wait3A_91, %dma_wait3A_92, %dma_wait3A_93] : memref<1x10000x32xbf16, #tpu.memory_space<hbm>> -> memref<1x10000x32xbf16, #tpu.memory_space<hbm>>
      tpu.wait_indirect_dma semaphore(%arg12 : memref<!tpu.dma_semaphore, #tpu.memory_space<semaphore_mem>>) src(%dma_wait3A_94 : memref<1x10000x32xbf16, #tpu.memory_space<hbm>>) dst(%arg9 : memref<1x512x32xbf16, #tpu.memory_space<vmem>>)
      "tpu.region"() ({
        %run_scoped3A_116 = tpu.sem_alloc : memref<!tpu.dma_semaphore, #tpu.memory_space<semaphore_mem>>
        %dma_start3A_117 = arith.constant 0 : i32
        %dma_start3A_118 = arith.constant 0 : i32
        %dma_start3A_119 = tpu.memref_slice %arg8[%mul3A_87, %dma_start3A_117, %dma_start3A_118] : memref<26x1x512xi32, #tpu.memory_space<vmem>> -> memref<1x1x512xi32, #tpu.memory_space<vmem>>
        %dma_start3A_120 = tpu.memref_squeeze %dma_start3A_119 : memref<1x1x512xi32, #tpu.memory_space<vmem>> -> memref<1x512xi32, #tpu.memory_space<vmem>>
        %dma_start3A_121 = arith.constant 0 : i32
        %dma_start3A_122 = arith.constant 0 : i32
        %dma_start3A_123 = arith.constant 0 : i32
        %dma_start3A_124 = tpu.memref_slice %arg11[%dma_start3A_121, %dma_start3A_122, %dma_start3A_123] : memref<1x10240x32xbf16, #tpu.memory_space<vmem_shared>> -> memref<1x10240x32xbf16, #tpu.memory_space<vmem_shared>>
        tpu.enqueue_indirect_dma source(%arg9 : memref<1x512x32xbf16, #tpu.memory_space<vmem>>) target(%dma_start3A_124 : memref<1x10240x32xbf16, #tpu.memory_space<vmem_shared>>) offsets(%dma_start3A_120 : memref<1x512xi32, #tpu.memory_space<vmem>>) semaphore(%run_scoped3A_116 : memref<!tpu.dma_semaphore, #tpu.memory_space<semaphore_mem>>) {add = true}
        %dma_wait3A_125 = arith.constant 0 : i32
        %dma_wait3A_126 = arith.constant 0 : i32
        %dma_wait3A_127 = tpu.memref_slice %arg8[%mul3A_87, %dma_wait3A_125, %dma_wait3A_126] : memref<26x1x512xi32, #tpu.memory_space<vmem>> -> memref<1x1x512xi32, #tpu.memory_space<vmem>>
        %dma_wait3A_128 = tpu.memref_squeeze %dma_wait3A_127 : memref<1x1x512xi32, #tpu.memory_space<vmem>> -> memref<1x512xi32, #tpu.memory_space<vmem>>
        %dma_wait3A_129 = arith.constant 0 : i32
        %dma_wait3A_130 = arith.constant 0 : i32
        %dma_wait3A_131 = arith.constant 0 : i32
        %dma_wait3A_132 = tpu.memref_slice %arg11[%dma_wait3A_129, %dma_wait3A_130, %dma_wait3A_131] : memref<1x10240x32xbf16, #tpu.memory_space<vmem_shared>> -> memref<1x10240x32xbf16, #tpu.memory_space<vmem_shared>>
        tpu.wait_indirect_dma semaphore(%run_scoped3A_116 : memref<!tpu.dma_semaphore, #tpu.memory_space<semaphore_mem>>) src(%arg9 : memref<1x512x32xbf16, #tpu.memory_space<vmem>>) dst(%dma_wait3A_132 : memref<1x10240x32xbf16, #tpu.memory_space<vmem_shared>>)
        tpu.yield
      }) : () -> ()
      %add3A_95 = arith.constant 2 : i32
      %add3A_96 = arith.addi %mul3A_87, %add3A_95 : i32
      %lt3A = arith.cmpi slt, %add3A_96, %select_n3A_26 : i32
      %convert_element_type3A = arith.extui %lt3A : i1 to i32
      %cond3A = arith.constant 0 : i32
      %cond3A_97 = arith.cmpi ne, %convert_element_type3A, %cond3A : i32
      scf.if %cond3A_97 {
        %add3A_116 = arith.constant 2 : i32
        %add3A_117 = arith.addi %mul3A_87, %add3A_116 : i32
        %dma_start3A_118 = arith.constant 0 : i32
        %dma_start3A_119 = arith.constant 0 : i32
        %dma_start3A_120 = tpu.memref_slice %arg7[%add3A_117, %dma_start3A_118, %dma_start3A_119] : memref<26x1x512xi32, #tpu.memory_space<vmem>> -> memref<1x1x512xi32, #tpu.memory_space<vmem>>
        %dma_start3A_121 = tpu.memref_squeeze %dma_start3A_120 : memref<1x1x512xi32, #tpu.memory_space<vmem>> -> memref<1x512xi32, #tpu.memory_space<vmem>>
        %dma_start3A_122 = arith.constant 0 : i32
        %dma_start3A_123 = arith.constant 0 : i32
        %dma_start3A_124 = arith.constant 0 : i32
        %dma_start3A_125 = tpu.memref_slice %arg2[%dma_start3A_122, %dma_start3A_123, %dma_start3A_124] : memref<1x10000x32xbf16, #tpu.memory_space<hbm>> -> memref<1x10000x32xbf16, #tpu.memory_space<hbm>>
        tpu.enqueue_indirect_dma source(%dma_start3A_125 : memref<1x10000x32xbf16, #tpu.memory_space<hbm>>) target(%arg9 : memref<1x512x32xbf16, #tpu.memory_space<vmem>>) offsets(%dma_start3A_121 : memref<1x512xi32, #tpu.memory_space<vmem>>) semaphore(%arg12 : memref<!tpu.dma_semaphore, #tpu.memory_space<semaphore_mem>>)
      } else {
      }
      %add3A_98 = arith.constant 1 : i32
      %add3A_99 = arith.addi %mul3A_87, %add3A_98 : i32
      %dma_wait3A_100 = arith.constant 0 : i32
      %dma_wait3A_101 = arith.constant 0 : i32
      %dma_wait3A_102 = tpu.memref_slice %arg7[%add3A_99, %dma_wait3A_100, %dma_wait3A_101] : memref<26x1x512xi32, #tpu.memory_space<vmem>> -> memref<1x1x512xi32, #tpu.memory_space<vmem>>
      %dma_wait3A_103 = tpu.memref_squeeze %dma_wait3A_102 : memref<1x1x512xi32, #tpu.memory_space<vmem>> -> memref<1x512xi32, #tpu.memory_space<vmem>>
      %dma_wait3A_104 = arith.constant 0 : i32
      %dma_wait3A_105 = arith.constant 0 : i32
      %dma_wait3A_106 = arith.constant 0 : i32
      %dma_wait3A_107 = tpu.memref_slice %arg2[%dma_wait3A_104, %dma_wait3A_105, %dma_wait3A_106] : memref<1x10000x32xbf16, #tpu.memory_space<hbm>> -> memref<1x10000x32xbf16, #tpu.memory_space<hbm>>
      tpu.wait_indirect_dma semaphore(%arg13 : memref<!tpu.dma_semaphore, #tpu.memory_space<semaphore_mem>>) src(%dma_wait3A_107 : memref<1x10000x32xbf16, #tpu.memory_space<hbm>>) dst(%arg10 : memref<1x512x32xbf16, #tpu.memory_space<vmem>>)
      %add3A_108 = arith.constant 1 : i32
      %add3A_109 = arith.addi %mul3A_87, %add3A_108 : i32
      "tpu.region"() ({
        %run_scoped3A_116 = tpu.sem_alloc : memref<!tpu.dma_semaphore, #tpu.memory_space<semaphore_mem>>
        %dma_start3A_117 = arith.constant 0 : i32
        %dma_start3A_118 = arith.constant 0 : i32
        %dma_start3A_119 = tpu.memref_slice %arg8[%add3A_109, %dma_start3A_117, %dma_start3A_118] : memref<26x1x512xi32, #tpu.memory_space<vmem>> -> memref<1x1x512xi32, #tpu.memory_space<vmem>>
        %dma_start3A_120 = tpu.memref_squeeze %dma_start3A_119 : memref<1x1x512xi32, #tpu.memory_space<vmem>> -> memref<1x512xi32, #tpu.memory_space<vmem>>
        %dma_start3A_121 = arith.constant 0 : i32
        %dma_start3A_122 = arith.constant 0 : i32
        %dma_start3A_123 = arith.constant 0 : i32
        %dma_start3A_124 = tpu.memref_slice %arg11[%dma_start3A_121, %dma_start3A_122, %dma_start3A_123] : memref<1x10240x32xbf16, #tpu.memory_space<vmem_shared>> -> memref<1x10240x32xbf16, #tpu.memory_space<vmem_shared>>
        tpu.enqueue_indirect_dma source(%arg10 : memref<1x512x32xbf16, #tpu.memory_space<vmem>>) target(%dma_start3A_124 : memref<1x10240x32xbf16, #tpu.memory_space<vmem_shared>>) offsets(%dma_start3A_120 : memref<1x512xi32, #tpu.memory_space<vmem>>) semaphore(%run_scoped3A_116 : memref<!tpu.dma_semaphore, #tpu.memory_space<semaphore_mem>>) {add = true}
        %dma_wait3A_125 = arith.constant 0 : i32
        %dma_wait3A_126 = arith.constant 0 : i32
        %dma_wait3A_127 = tpu.memref_slice %arg8[%add3A_109, %dma_wait3A_125, %dma_wait3A_126] : memref<26x1x512xi32, #tpu.memory_space<vmem>> -> memref<1x1x512xi32, #tpu.memory_space<vmem>>
        %dma_wait3A_128 = tpu.memref_squeeze %dma_wait3A_127 : memref<1x1x512xi32, #tpu.memory_space<vmem>> -> memref<1x512xi32, #tpu.memory_space<vmem>>
        %dma_wait3A_129 = arith.constant 0 : i32
        %dma_wait3A_130 = arith.constant 0 : i32
        %dma_wait3A_131 = arith.constant 0 : i32
        %dma_wait3A_132 = tpu.memref_slice %arg11[%dma_wait3A_129, %dma_wait3A_130, %dma_wait3A_131] : memref<1x10240x32xbf16, #tpu.memory_space<vmem_shared>> -> memref<1x10240x32xbf16, #tpu.memory_space<vmem_shared>>
        tpu.wait_indirect_dma semaphore(%run_scoped3A_116 : memref<!tpu.dma_semaphore, #tpu.memory_space<semaphore_mem>>) src(%arg10 : memref<1x512x32xbf16, #tpu.memory_space<vmem>>) dst(%dma_wait3A_132 : memref<1x10240x32xbf16, #tpu.memory_space<vmem_shared>>)
        tpu.yield
      }) : () -> ()
      %add3A_110 = arith.constant 3 : i32
      %add3A_111 = arith.addi %mul3A_87, %add3A_110 : i32
      %lt3A_112 = arith.cmpi slt, %add3A_111, %select_n3A_26 : i32
      %convert_element_type3A_113 = arith.extui %lt3A_112 : i1 to i32
      %cond3A_114 = arith.constant 0 : i32
      %cond3A_115 = arith.cmpi ne, %convert_element_type3A_113, %cond3A_114 : i32
      scf.if %cond3A_115 {
        %add3A_116 = arith.constant 3 : i32
        %add3A_117 = arith.addi %mul3A_87, %add3A_116 : i32
        %dma_start3A_118 = arith.constant 0 : i32
        %dma_start3A_119 = arith.constant 0 : i32
        %dma_start3A_120 = tpu.memref_slice %arg7[%add3A_117, %dma_start3A_118, %dma_start3A_119] : memref<26x1x512xi32, #tpu.memory_space<vmem>> -> memref<1x1x512xi32, #tpu.memory_space<vmem>>
        %dma_start3A_121 = tpu.memref_squeeze %dma_start3A_120 : memref<1x1x512xi32, #tpu.memory_space<vmem>> -> memref<1x512xi32, #tpu.memory_space<vmem>>
        %dma_start3A_122 = arith.constant 0 : i32
        %dma_start3A_123 = arith.constant 0 : i32
        %dma_start3A_124 = arith.constant 0 : i32
        %dma_start3A_125 = tpu.memref_slice %arg2[%dma_start3A_122, %dma_start3A_123, %dma_start3A_124] : memref<1x10000x32xbf16, #tpu.memory_space<hbm>> -> memref<1x10000x32xbf16, #tpu.memory_space<hbm>>
        tpu.enqueue_indirect_dma source(%dma_start3A_125 : memref<1x10000x32xbf16, #tpu.memory_space<hbm>>) target(%arg10 : memref<1x512x32xbf16, #tpu.memory_space<vmem>>) offsets(%dma_start3A_121 : memref<1x512xi32, #tpu.memory_space<vmem>>) semaphore(%arg13 : memref<!tpu.dma_semaphore, #tpu.memory_space<semaphore_mem>>)
      } else {
      }
    }
    %barrier3A_79 = arith.constant 0 : index
    tpu.barrier barrier_id(%barrier3A_79)
    %mul3A_80 = arith.constant 640 : i32
    %mul3A_81 = arith.muli %arg1, %mul3A_80 : i32
    %mul3A_82 = arith.constant 640 : i32
    %mul3A_83 = arith.muli %arg1, %mul3A_82 : i32
    %run_scoped3A_84 = arith.constant 0 : i32
    "tpu.region"() ({
      %run_scoped3A_85 = tpu.sem_alloc : memref<!tpu.dma_semaphore, #tpu.memory_space<semaphore_mem>>
      %dma_start3A_86 = arith.constant 0 : i32
      %dma_start3A_87 = tpu.memref_slice %arg6[%arg0, %mul3A_83, %dma_start3A_86] : memref<2x10240x32xbf16, #tpu.memory_space<hbm>> -> memref<1x640x32xbf16, #tpu.memory_space<hbm>>
      %dma_start3A_88 = tpu.memref_squeeze %dma_start3A_87 : memref<1x640x32xbf16, #tpu.memory_space<hbm>> -> memref<640x32xbf16, #tpu.memory_space<hbm>>
      %dma_start3A_89 = arith.constant 0 : i32
      %dma_start3A_90 = tpu.memref_slice %arg11[%run_scoped3A_84, %mul3A_81, %dma_start3A_89] : memref<1x10240x32xbf16, #tpu.memory_space<vmem_shared>> -> memref<1x640x32xbf16, #tpu.memory_space<vmem_shared>>
      %dma_start3A_91 = tpu.memref_squeeze %dma_start3A_90 : memref<1x640x32xbf16, #tpu.memory_space<vmem_shared>> -> memref<640x32xbf16, #tpu.memory_space<vmem_shared>>
      tpu.enqueue_dma source(%dma_start3A_91 : memref<640x32xbf16, #tpu.memory_space<vmem_shared>>) target(%dma_start3A_88 : memref<640x32xbf16, #tpu.memory_space<hbm>>) target_semaphore(%run_scoped3A_85 : memref<!tpu.dma_semaphore, #tpu.memory_space<semaphore_mem>>)
      %dma_wait3A = arith.constant 0 : i32
      %dma_wait3A_92 = tpu.memref_slice %arg6[%arg0, %mul3A_83, %dma_wait3A] : memref<2x10240x32xbf16, #tpu.memory_space<hbm>> -> memref<1x640x32xbf16, #tpu.memory_space<hbm>>
      %dma_wait3A_93 = tpu.memref_squeeze %dma_wait3A_92 : memref<1x640x32xbf16, #tpu.memory_space<hbm>> -> memref<640x32xbf16, #tpu.memory_space<hbm>>
      %dma_wait3A_94 = arith.constant 0 : i32
      %dma_wait3A_95 = tpu.memref_slice %arg11[%run_scoped3A_84, %mul3A_81, %dma_wait3A_94] : memref<1x10240x32xbf16, #tpu.memory_space<vmem_shared>> -> memref<1x640x32xbf16, #tpu.memory_space<vmem_shared>>
      %dma_wait3A_96 = tpu.memref_squeeze %dma_wait3A_95 : memref<1x640x32xbf16, #tpu.memory_space<vmem_shared>> -> memref<640x32xbf16, #tpu.memory_space<vmem_shared>>
      tpu.wait_dma2 semaphore(%run_scoped3A_85 : memref<!tpu.dma_semaphore, #tpu.memory_space<semaphore_mem>>) src(%dma_wait3A_96 : memref<640x32xbf16, #tpu.memory_space<vmem_shared>>) dst(%dma_wait3A_93 : memref<640x32xbf16, #tpu.memory_space<hbm>>)
      tpu.yield
    }) : () -> ()
    return
  }
}

#map = affine_map<(d0, d1) -> (0, 0, 0)>
#map1 = affine_map<(d0, d1) -> (0, 0)>
module attributes {stable_mosaic.version = 14 : i64} {
  func.func @agg(%arg0: i32, %arg1: i32, %arg2: memref<1x10000x64xbf16, #tpu.memory_space<hbm>>, %arg3: memref<652x1x512xi32, #tpu.memory_space<hbm>>, %arg4: memref<652x1x512xi32, #tpu.memory_space<hbm>>, %arg5: memref<640x64xbf16, #tpu.memory_space<hbm>>, %arg6: memref<2x10240x64xbf16, #tpu.memory_space<hbm>>, %arg7: memref<26x1x512xi32, #tpu.memory_space<vmem>>, %arg8: memref<26x1x512xi32, #tpu.memory_space<vmem>>, %arg9: memref<1x512x64xbf16, #tpu.memory_space<vmem>>, %arg10: memref<1x512x64xbf16, #tpu.memory_space<vmem>>, %arg11: memref<1x10240x64xbf16, #tpu.memory_space<vmem_shared>>, %arg12: memref<!tpu.dma_semaphore, #tpu.memory_space<semaphore_mem>>, %arg13: memref<!tpu.dma_semaphore, #tpu.memory_space<semaphore_mem>>) attributes {dimension_semantics = [#tpu.dimension_semantics<core_parallel>, #tpu.dimension_semantics<subcore_parallel>], iteration_bounds = array<i64: 2, 16>, scalar_prefetch = 0 : i64, scratch_operands = 7 : i64, tpu.core_type = #tpu.core_type<sc_vector_subcore>, window_params = [{transform_indices = #map}, {transform_indices = #map}, {transform_indices = #map}, {transform_indices = #map1}, {transform_indices = #map}]} {
    %eq3A = arith.constant 0 : i32
    %eq3A_0 = arith.cmpi eq, %arg0, %eq3A : i32
    %mul3A = arith.constant 26 : i32
    %mul3A_1 = arith.muli %arg1, %mul3A : i32
    %mul3A_2 = arith.constant 56 : i32
    %mul3A_3 = arith.muli %arg1, %mul3A_2 : i32
    %add3A = arith.constant 1664 : i32
    %add3A_4 = arith.addi %add3A, %mul3A_3 : i32
    %jit3A = arith.constant 4 : i32
    %div3A = arith.divsi %add3A_4, %jit3A : i32
    %sign3A = arith.constant 0 : i32
    %sign3A_5 = arith.cmpi sgt, %add3A_4, %sign3A : i32
    %sign3A_6 = arith.extui %sign3A_5 : i1 to i32
    %sign3A_7 = arith.constant 0 : i32
    %sign3A_8 = arith.cmpi slt, %add3A_4, %sign3A_7 : i32
    %sign3A_9 = arith.extui %sign3A_8 : i1 to i32
    %sign3A_10 = arith.subi %sign3A_6, %sign3A_9 : i32
    %sign3A_11 = arith.constant 0 : i32
    %sign3A_12 = arith.cmpi sgt, %jit3A, %sign3A_11 : i32
    %sign3A_13 = arith.extui %sign3A_12 : i1 to i32
    %sign3A_14 = arith.constant 0 : i32
    %sign3A_15 = arith.cmpi slt, %jit3A, %sign3A_14 : i32
    %sign3A_16 = arith.extui %sign3A_15 : i1 to i32
    %sign3A_17 = arith.subi %sign3A_13, %sign3A_16 : i32
    %ne3A = arith.cmpi ne, %sign3A_10, %sign3A_17 : i32
    %rem3A = arith.remsi %add3A_4, %jit3A : i32
    %ne3A_18 = arith.constant 0 : i32
    %ne3A_19 = arith.cmpi ne, %rem3A, %ne3A_18 : i32
    %and3A = arith.andi %ne3A, %ne3A_19 : i1
    %sub3A = arith.constant 1 : i32
    %sub3A_20 = arith.subi %div3A, %sub3A : i32
    %select_n3A = arith.select %and3A, %sub3A_20, %div3A : i32
    %select_n3A_21 = arith.select %eq3A_0, %mul3A_1, %select_n3A : i32
    %eq3A_22 = arith.constant 0 : i32
    %eq3A_23 = arith.cmpi eq, %arg0, %eq3A_22 : i32
    %jit3A_24 = arith.constant 26 : i32
    %jit3A_25 = arith.constant 14 : i32
    %select_n3A_26 = arith.select %eq3A_23, %jit3A_24, %jit3A_25 : i32
    "tpu.region"() ({
      %run_scoped3A_85 = tpu.sem_alloc : memref<!tpu.dma_semaphore, #tpu.memory_space<semaphore_mem>>
      %dma_start3A_86 = arith.constant 0 : i32
      %dma_start3A_87 = arith.constant 0 : i32
      %dma_start3A_88 = tpu.memref_slice %arg3[%select_n3A_21, %dma_start3A_86, %dma_start3A_87] : memref<652x1x512xi32, #tpu.memory_space<hbm>> -> memref<26x1x512xi32, #tpu.memory_space<hbm>>
      %dma_start3A_89 = arith.constant 0 : i32
      %dma_start3A_90 = arith.constant 0 : i32
      %dma_start3A_91 = tpu.memref_slice %arg3[%select_n3A_21, %dma_start3A_89, %dma_start3A_90] : memref<652x1x512xi32, #tpu.memory_space<hbm>> -> memref<26x1x512xi32, #tpu.memory_space<hbm>>
      tpu.enqueue_dma source(%dma_start3A_91 : memref<26x1x512xi32, #tpu.memory_space<hbm>>) target(%arg7 : memref<26x1x512xi32, #tpu.memory_space<vmem>>) target_semaphore(%run_scoped3A_85 : memref<!tpu.dma_semaphore, #tpu.memory_space<semaphore_mem>>)
      %dma_wait3A = arith.constant 0 : i32
      %dma_wait3A_92 = arith.constant 0 : i32
      %dma_wait3A_93 = tpu.memref_slice %arg3[%select_n3A_21, %dma_wait3A, %dma_wait3A_92] : memref<652x1x512xi32, #tpu.memory_space<hbm>> -> memref<26x1x512xi32, #tpu.memory_space<hbm>>
      %dma_wait3A_94 = arith.constant 0 : i32
      %dma_wait3A_95 = arith.constant 0 : i32
      %dma_wait3A_96 = tpu.memref_slice %arg3[%select_n3A_21, %dma_wait3A_94, %dma_wait3A_95] : memref<652x1x512xi32, #tpu.memory_space<hbm>> -> memref<26x1x512xi32, #tpu.memory_space<hbm>>
      tpu.wait_dma2 semaphore(%run_scoped3A_85 : memref<!tpu.dma_semaphore, #tpu.memory_space<semaphore_mem>>) src(%dma_wait3A_96 : memref<26x1x512xi32, #tpu.memory_space<hbm>>) dst(%arg7 : memref<26x1x512xi32, #tpu.memory_space<vmem>>)
      tpu.yield
    }) : () -> ()
    "tpu.region"() ({
      %run_scoped3A_85 = tpu.sem_alloc : memref<!tpu.dma_semaphore, #tpu.memory_space<semaphore_mem>>
      %dma_start3A_86 = arith.constant 0 : i32
      %dma_start3A_87 = arith.constant 0 : i32
      %dma_start3A_88 = tpu.memref_slice %arg4[%select_n3A_21, %dma_start3A_86, %dma_start3A_87] : memref<652x1x512xi32, #tpu.memory_space<hbm>> -> memref<26x1x512xi32, #tpu.memory_space<hbm>>
      %dma_start3A_89 = arith.constant 0 : i32
      %dma_start3A_90 = arith.constant 0 : i32
      %dma_start3A_91 = tpu.memref_slice %arg4[%select_n3A_21, %dma_start3A_89, %dma_start3A_90] : memref<652x1x512xi32, #tpu.memory_space<hbm>> -> memref<26x1x512xi32, #tpu.memory_space<hbm>>
      tpu.enqueue_dma source(%dma_start3A_91 : memref<26x1x512xi32, #tpu.memory_space<hbm>>) target(%arg8 : memref<26x1x512xi32, #tpu.memory_space<vmem>>) target_semaphore(%run_scoped3A_85 : memref<!tpu.dma_semaphore, #tpu.memory_space<semaphore_mem>>)
      %dma_wait3A = arith.constant 0 : i32
      %dma_wait3A_92 = arith.constant 0 : i32
      %dma_wait3A_93 = tpu.memref_slice %arg4[%select_n3A_21, %dma_wait3A, %dma_wait3A_92] : memref<652x1x512xi32, #tpu.memory_space<hbm>> -> memref<26x1x512xi32, #tpu.memory_space<hbm>>
      %dma_wait3A_94 = arith.constant 0 : i32
      %dma_wait3A_95 = arith.constant 0 : i32
      %dma_wait3A_96 = tpu.memref_slice %arg4[%select_n3A_21, %dma_wait3A_94, %dma_wait3A_95] : memref<652x1x512xi32, #tpu.memory_space<hbm>> -> memref<26x1x512xi32, #tpu.memory_space<hbm>>
      tpu.wait_dma2 semaphore(%run_scoped3A_85 : memref<!tpu.dma_semaphore, #tpu.memory_space<semaphore_mem>>) src(%dma_wait3A_96 : memref<26x1x512xi32, #tpu.memory_space<hbm>>) dst(%arg8 : memref<26x1x512xi32, #tpu.memory_space<vmem>>)
      tpu.yield
    }) : () -> ()
    %mul3A_27 = arith.constant 640 : i32
    %mul3A_28 = arith.muli %arg1, %mul3A_27 : i32
    %run_scoped3A = arith.constant 0 : i32
    "tpu.region"() ({
      %run_scoped3A_85 = tpu.sem_alloc : memref<!tpu.dma_semaphore, #tpu.memory_space<semaphore_mem>>
      %dma_start3A_86 = arith.constant 0 : i32
      %dma_start3A_87 = tpu.memref_slice %arg11[%run_scoped3A, %mul3A_28, %dma_start3A_86] : memref<1x10240x64xbf16, #tpu.memory_space<vmem_shared>> -> memref<1x640x64xbf16, #tpu.memory_space<vmem_shared>>
      %dma_start3A_88 = tpu.memref_squeeze %dma_start3A_87 : memref<1x640x64xbf16, #tpu.memory_space<vmem_shared>> -> memref<640x64xbf16, #tpu.memory_space<vmem_shared>>
      tpu.enqueue_dma source(%arg5 : memref<640x64xbf16, #tpu.memory_space<hbm>>) target(%dma_start3A_88 : memref<640x64xbf16, #tpu.memory_space<vmem_shared>>) target_semaphore(%run_scoped3A_85 : memref<!tpu.dma_semaphore, #tpu.memory_space<semaphore_mem>>)
      %dma_wait3A = arith.constant 0 : i32
      %dma_wait3A_89 = tpu.memref_slice %arg11[%run_scoped3A, %mul3A_28, %dma_wait3A] : memref<1x10240x64xbf16, #tpu.memory_space<vmem_shared>> -> memref<1x640x64xbf16, #tpu.memory_space<vmem_shared>>
      %dma_wait3A_90 = tpu.memref_squeeze %dma_wait3A_89 : memref<1x640x64xbf16, #tpu.memory_space<vmem_shared>> -> memref<640x64xbf16, #tpu.memory_space<vmem_shared>>
      tpu.wait_dma2 semaphore(%run_scoped3A_85 : memref<!tpu.dma_semaphore, #tpu.memory_space<semaphore_mem>>) src(%arg5 : memref<640x64xbf16, #tpu.memory_space<hbm>>) dst(%dma_wait3A_90 : memref<640x64xbf16, #tpu.memory_space<vmem_shared>>)
      tpu.yield
    }) : () -> ()
    %barrier3A = arith.constant 0 : index
    tpu.barrier barrier_id(%barrier3A)
    %dma_start3A = arith.constant 0 : i32
    %dma_start3A_29 = arith.constant 0 : i32
    %dma_start3A_30 = arith.constant 0 : i32
    %dma_start3A_31 = tpu.memref_slice %arg7[%dma_start3A, %dma_start3A_29, %dma_start3A_30] : memref<26x1x512xi32, #tpu.memory_space<vmem>> -> memref<1x1x512xi32, #tpu.memory_space<vmem>>
    %dma_start3A_32 = tpu.memref_squeeze %dma_start3A_31 : memref<1x1x512xi32, #tpu.memory_space<vmem>> -> memref<1x512xi32, #tpu.memory_space<vmem>>
    %dma_start3A_33 = arith.constant 0 : i32
    %dma_start3A_34 = arith.constant 0 : i32
    %dma_start3A_35 = arith.constant 0 : i32
    %dma_start3A_36 = tpu.memref_slice %arg2[%dma_start3A_33, %dma_start3A_34, %dma_start3A_35] : memref<1x10000x64xbf16, #tpu.memory_space<hbm>> -> memref<1x10000x64xbf16, #tpu.memory_space<hbm>>
    tpu.enqueue_indirect_dma source(%dma_start3A_36 : memref<1x10000x64xbf16, #tpu.memory_space<hbm>>) target(%arg9 : memref<1x512x64xbf16, #tpu.memory_space<vmem>>) offsets(%dma_start3A_32 : memref<1x512xi32, #tpu.memory_space<vmem>>) semaphore(%arg12 : memref<!tpu.dma_semaphore, #tpu.memory_space<semaphore_mem>>)
    %dma_start3A_37 = arith.constant 1 : i32
    %dma_start3A_38 = arith.constant 0 : i32
    %dma_start3A_39 = arith.constant 0 : i32
    %dma_start3A_40 = tpu.memref_slice %arg7[%dma_start3A_37, %dma_start3A_38, %dma_start3A_39] : memref<26x1x512xi32, #tpu.memory_space<vmem>> -> memref<1x1x512xi32, #tpu.memory_space<vmem>>
    %dma_start3A_41 = tpu.memref_squeeze %dma_start3A_40 : memref<1x1x512xi32, #tpu.memory_space<vmem>> -> memref<1x512xi32, #tpu.memory_space<vmem>>
    %dma_start3A_42 = arith.constant 0 : i32
    %dma_start3A_43 = arith.constant 0 : i32
    %dma_start3A_44 = arith.constant 0 : i32
    %dma_start3A_45 = tpu.memref_slice %arg2[%dma_start3A_42, %dma_start3A_43, %dma_start3A_44] : memref<1x10000x64xbf16, #tpu.memory_space<hbm>> -> memref<1x10000x64xbf16, #tpu.memory_space<hbm>>
    tpu.enqueue_indirect_dma source(%dma_start3A_45 : memref<1x10000x64xbf16, #tpu.memory_space<hbm>>) target(%arg10 : memref<1x512x64xbf16, #tpu.memory_space<vmem>>) offsets(%dma_start3A_41 : memref<1x512xi32, #tpu.memory_space<vmem>>) semaphore(%arg13 : memref<!tpu.dma_semaphore, #tpu.memory_space<semaphore_mem>>)
    %jit3A_46 = arith.constant 2 : i32
    %div3A_47 = arith.divsi %select_n3A_26, %jit3A_46 : i32
    %sign3A_48 = arith.constant 0 : i32
    %sign3A_49 = arith.cmpi sgt, %select_n3A_26, %sign3A_48 : i32
    %sign3A_50 = arith.extui %sign3A_49 : i1 to i32
    %sign3A_51 = arith.constant 0 : i32
    %sign3A_52 = arith.cmpi slt, %select_n3A_26, %sign3A_51 : i32
    %sign3A_53 = arith.extui %sign3A_52 : i1 to i32
    %sign3A_54 = arith.subi %sign3A_50, %sign3A_53 : i32
    %sign3A_55 = arith.constant 0 : i32
    %sign3A_56 = arith.cmpi sgt, %jit3A_46, %sign3A_55 : i32
    %sign3A_57 = arith.extui %sign3A_56 : i1 to i32
    %sign3A_58 = arith.constant 0 : i32
    %sign3A_59 = arith.cmpi slt, %jit3A_46, %sign3A_58 : i32
    %sign3A_60 = arith.extui %sign3A_59 : i1 to i32
    %sign3A_61 = arith.subi %sign3A_57, %sign3A_60 : i32
    %ne3A_62 = arith.cmpi ne, %sign3A_54, %sign3A_61 : i32
    %rem3A_63 = arith.remsi %select_n3A_26, %jit3A_46 : i32
    %ne3A_64 = arith.constant 0 : i32
    %ne3A_65 = arith.cmpi ne, %rem3A_63, %ne3A_64 : i32
    %and3A_66 = arith.andi %ne3A_62, %ne3A_65 : i1
    %sub3A_67 = arith.constant 1 : i32
    %sub3A_68 = arith.subi %div3A_47, %sub3A_67 : i32
    %select_n3A_69 = arith.select %and3A_66, %sub3A_68, %div3A_47 : i32
    %while3A = arith.constant 0 : i32
    %while3A_70 = arith.constant 0 : i32
    %while3A_71 = arith.subi %select_n3A_69, %while3A_70 : i32
    %while3A_72 = arith.addi %while3A_70, %while3A_71 : i32
    %while3A_73 = arith.constant 1 : i32
    %while3A_74 = arith.divsi %while3A_71, %while3A_73 : i32
    %while3A_75 = arith.muli %while3A_74, %while3A_73 : i32
    %while3A_76 = arith.addi %while3A_70, %while3A_75 : i32
    %while3A_77 = arith.constant 1 : i32
    scf.for %while3A_85 = %while3A_70 to %while3A_76 step %while3A_77  : i32 {
      %mul3A_86 = arith.constant 2 : i32
      %mul3A_87 = arith.muli %while3A_85, %mul3A_86 : i32
      %dma_wait3A = arith.constant 0 : i32
      %dma_wait3A_88 = arith.constant 0 : i32
      %dma_wait3A_89 = tpu.memref_slice %arg7[%mul3A_87, %dma_wait3A, %dma_wait3A_88] : memref<26x1x512xi32, #tpu.memory_space<vmem>> -> memref<1x1x512xi32, #tpu.memory_space<vmem>>
      %dma_wait3A_90 = tpu.memref_squeeze %dma_wait3A_89 : memref<1x1x512xi32, #tpu.memory_space<vmem>> -> memref<1x512xi32, #tpu.memory_space<vmem>>
      %dma_wait3A_91 = arith.constant 0 : i32
      %dma_wait3A_92 = arith.constant 0 : i32
      %dma_wait3A_93 = arith.constant 0 : i32
      %dma_wait3A_94 = tpu.memref_slice %arg2[%dma_wait3A_91, %dma_wait3A_92, %dma_wait3A_93] : memref<1x10000x64xbf16, #tpu.memory_space<hbm>> -> memref<1x10000x64xbf16, #tpu.memory_space<hbm>>
      tpu.wait_indirect_dma semaphore(%arg12 : memref<!tpu.dma_semaphore, #tpu.memory_space<semaphore_mem>>) src(%dma_wait3A_94 : memref<1x10000x64xbf16, #tpu.memory_space<hbm>>) dst(%arg9 : memref<1x512x64xbf16, #tpu.memory_space<vmem>>)
      "tpu.region"() ({
        %run_scoped3A_116 = tpu.sem_alloc : memref<!tpu.dma_semaphore, #tpu.memory_space<semaphore_mem>>
        %dma_start3A_117 = arith.constant 0 : i32
        %dma_start3A_118 = arith.constant 0 : i32
        %dma_start3A_119 = tpu.memref_slice %arg8[%mul3A_87, %dma_start3A_117, %dma_start3A_118] : memref<26x1x512xi32, #tpu.memory_space<vmem>> -> memref<1x1x512xi32, #tpu.memory_space<vmem>>
        %dma_start3A_120 = tpu.memref_squeeze %dma_start3A_119 : memref<1x1x512xi32, #tpu.memory_space<vmem>> -> memref<1x512xi32, #tpu.memory_space<vmem>>
        %dma_start3A_121 = arith.constant 0 : i32
        %dma_start3A_122 = arith.constant 0 : i32
        %dma_start3A_123 = arith.constant 0 : i32
        %dma_start3A_124 = tpu.memref_slice %arg11[%dma_start3A_121, %dma_start3A_122, %dma_start3A_123] : memref<1x10240x64xbf16, #tpu.memory_space<vmem_shared>> -> memref<1x10240x64xbf16, #tpu.memory_space<vmem_shared>>
        tpu.enqueue_indirect_dma source(%arg9 : memref<1x512x64xbf16, #tpu.memory_space<vmem>>) target(%dma_start3A_124 : memref<1x10240x64xbf16, #tpu.memory_space<vmem_shared>>) offsets(%dma_start3A_120 : memref<1x512xi32, #tpu.memory_space<vmem>>) semaphore(%run_scoped3A_116 : memref<!tpu.dma_semaphore, #tpu.memory_space<semaphore_mem>>) {add = true}
        %dma_wait3A_125 = arith.constant 0 : i32
        %dma_wait3A_126 = arith.constant 0 : i32
        %dma_wait3A_127 = tpu.memref_slice %arg8[%mul3A_87, %dma_wait3A_125, %dma_wait3A_126] : memref<26x1x512xi32, #tpu.memory_space<vmem>> -> memref<1x1x512xi32, #tpu.memory_space<vmem>>
        %dma_wait3A_128 = tpu.memref_squeeze %dma_wait3A_127 : memref<1x1x512xi32, #tpu.memory_space<vmem>> -> memref<1x512xi32, #tpu.memory_space<vmem>>
        %dma_wait3A_129 = arith.constant 0 : i32
        %dma_wait3A_130 = arith.constant 0 : i32
        %dma_wait3A_131 = arith.constant 0 : i32
        %dma_wait3A_132 = tpu.memref_slice %arg11[%dma_wait3A_129, %dma_wait3A_130, %dma_wait3A_131] : memref<1x10240x64xbf16, #tpu.memory_space<vmem_shared>> -> memref<1x10240x64xbf16, #tpu.memory_space<vmem_shared>>
        tpu.wait_indirect_dma semaphore(%run_scoped3A_116 : memref<!tpu.dma_semaphore, #tpu.memory_space<semaphore_mem>>) src(%arg9 : memref<1x512x64xbf16, #tpu.memory_space<vmem>>) dst(%dma_wait3A_132 : memref<1x10240x64xbf16, #tpu.memory_space<vmem_shared>>)
        tpu.yield
      }) : () -> ()
      %add3A_95 = arith.constant 2 : i32
      %add3A_96 = arith.addi %mul3A_87, %add3A_95 : i32
      %lt3A = arith.cmpi slt, %add3A_96, %select_n3A_26 : i32
      %convert_element_type3A = arith.extui %lt3A : i1 to i32
      %cond3A = arith.constant 0 : i32
      %cond3A_97 = arith.cmpi ne, %convert_element_type3A, %cond3A : i32
      scf.if %cond3A_97 {
        %add3A_116 = arith.constant 2 : i32
        %add3A_117 = arith.addi %mul3A_87, %add3A_116 : i32
        %dma_start3A_118 = arith.constant 0 : i32
        %dma_start3A_119 = arith.constant 0 : i32
        %dma_start3A_120 = tpu.memref_slice %arg7[%add3A_117, %dma_start3A_118, %dma_start3A_119] : memref<26x1x512xi32, #tpu.memory_space<vmem>> -> memref<1x1x512xi32, #tpu.memory_space<vmem>>
        %dma_start3A_121 = tpu.memref_squeeze %dma_start3A_120 : memref<1x1x512xi32, #tpu.memory_space<vmem>> -> memref<1x512xi32, #tpu.memory_space<vmem>>
        %dma_start3A_122 = arith.constant 0 : i32
        %dma_start3A_123 = arith.constant 0 : i32
        %dma_start3A_124 = arith.constant 0 : i32
        %dma_start3A_125 = tpu.memref_slice %arg2[%dma_start3A_122, %dma_start3A_123, %dma_start3A_124] : memref<1x10000x64xbf16, #tpu.memory_space<hbm>> -> memref<1x10000x64xbf16, #tpu.memory_space<hbm>>
        tpu.enqueue_indirect_dma source(%dma_start3A_125 : memref<1x10000x64xbf16, #tpu.memory_space<hbm>>) target(%arg9 : memref<1x512x64xbf16, #tpu.memory_space<vmem>>) offsets(%dma_start3A_121 : memref<1x512xi32, #tpu.memory_space<vmem>>) semaphore(%arg12 : memref<!tpu.dma_semaphore, #tpu.memory_space<semaphore_mem>>)
      } else {
      }
      %add3A_98 = arith.constant 1 : i32
      %add3A_99 = arith.addi %mul3A_87, %add3A_98 : i32
      %dma_wait3A_100 = arith.constant 0 : i32
      %dma_wait3A_101 = arith.constant 0 : i32
      %dma_wait3A_102 = tpu.memref_slice %arg7[%add3A_99, %dma_wait3A_100, %dma_wait3A_101] : memref<26x1x512xi32, #tpu.memory_space<vmem>> -> memref<1x1x512xi32, #tpu.memory_space<vmem>>
      %dma_wait3A_103 = tpu.memref_squeeze %dma_wait3A_102 : memref<1x1x512xi32, #tpu.memory_space<vmem>> -> memref<1x512xi32, #tpu.memory_space<vmem>>
      %dma_wait3A_104 = arith.constant 0 : i32
      %dma_wait3A_105 = arith.constant 0 : i32
      %dma_wait3A_106 = arith.constant 0 : i32
      %dma_wait3A_107 = tpu.memref_slice %arg2[%dma_wait3A_104, %dma_wait3A_105, %dma_wait3A_106] : memref<1x10000x64xbf16, #tpu.memory_space<hbm>> -> memref<1x10000x64xbf16, #tpu.memory_space<hbm>>
      tpu.wait_indirect_dma semaphore(%arg13 : memref<!tpu.dma_semaphore, #tpu.memory_space<semaphore_mem>>) src(%dma_wait3A_107 : memref<1x10000x64xbf16, #tpu.memory_space<hbm>>) dst(%arg10 : memref<1x512x64xbf16, #tpu.memory_space<vmem>>)
      %add3A_108 = arith.constant 1 : i32
      %add3A_109 = arith.addi %mul3A_87, %add3A_108 : i32
      "tpu.region"() ({
        %run_scoped3A_116 = tpu.sem_alloc : memref<!tpu.dma_semaphore, #tpu.memory_space<semaphore_mem>>
        %dma_start3A_117 = arith.constant 0 : i32
        %dma_start3A_118 = arith.constant 0 : i32
        %dma_start3A_119 = tpu.memref_slice %arg8[%add3A_109, %dma_start3A_117, %dma_start3A_118] : memref<26x1x512xi32, #tpu.memory_space<vmem>> -> memref<1x1x512xi32, #tpu.memory_space<vmem>>
        %dma_start3A_120 = tpu.memref_squeeze %dma_start3A_119 : memref<1x1x512xi32, #tpu.memory_space<vmem>> -> memref<1x512xi32, #tpu.memory_space<vmem>>
        %dma_start3A_121 = arith.constant 0 : i32
        %dma_start3A_122 = arith.constant 0 : i32
        %dma_start3A_123 = arith.constant 0 : i32
        %dma_start3A_124 = tpu.memref_slice %arg11[%dma_start3A_121, %dma_start3A_122, %dma_start3A_123] : memref<1x10240x64xbf16, #tpu.memory_space<vmem_shared>> -> memref<1x10240x64xbf16, #tpu.memory_space<vmem_shared>>
        tpu.enqueue_indirect_dma source(%arg10 : memref<1x512x64xbf16, #tpu.memory_space<vmem>>) target(%dma_start3A_124 : memref<1x10240x64xbf16, #tpu.memory_space<vmem_shared>>) offsets(%dma_start3A_120 : memref<1x512xi32, #tpu.memory_space<vmem>>) semaphore(%run_scoped3A_116 : memref<!tpu.dma_semaphore, #tpu.memory_space<semaphore_mem>>) {add = true}
        %dma_wait3A_125 = arith.constant 0 : i32
        %dma_wait3A_126 = arith.constant 0 : i32
        %dma_wait3A_127 = tpu.memref_slice %arg8[%add3A_109, %dma_wait3A_125, %dma_wait3A_126] : memref<26x1x512xi32, #tpu.memory_space<vmem>> -> memref<1x1x512xi32, #tpu.memory_space<vmem>>
        %dma_wait3A_128 = tpu.memref_squeeze %dma_wait3A_127 : memref<1x1x512xi32, #tpu.memory_space<vmem>> -> memref<1x512xi32, #tpu.memory_space<vmem>>
        %dma_wait3A_129 = arith.constant 0 : i32
        %dma_wait3A_130 = arith.constant 0 : i32
        %dma_wait3A_131 = arith.constant 0 : i32
        %dma_wait3A_132 = tpu.memref_slice %arg11[%dma_wait3A_129, %dma_wait3A_130, %dma_wait3A_131] : memref<1x10240x64xbf16, #tpu.memory_space<vmem_shared>> -> memref<1x10240x64xbf16, #tpu.memory_space<vmem_shared>>
        tpu.wait_indirect_dma semaphore(%run_scoped3A_116 : memref<!tpu.dma_semaphore, #tpu.memory_space<semaphore_mem>>) src(%arg10 : memref<1x512x64xbf16, #tpu.memory_space<vmem>>) dst(%dma_wait3A_132 : memref<1x10240x64xbf16, #tpu.memory_space<vmem_shared>>)
        tpu.yield
      }) : () -> ()
      %add3A_110 = arith.constant 3 : i32
      %add3A_111 = arith.addi %mul3A_87, %add3A_110 : i32
      %lt3A_112 = arith.cmpi slt, %add3A_111, %select_n3A_26 : i32
      %convert_element_type3A_113 = arith.extui %lt3A_112 : i1 to i32
      %cond3A_114 = arith.constant 0 : i32
      %cond3A_115 = arith.cmpi ne, %convert_element_type3A_113, %cond3A_114 : i32
      scf.if %cond3A_115 {
        %add3A_116 = arith.constant 3 : i32
        %add3A_117 = arith.addi %mul3A_87, %add3A_116 : i32
        %dma_start3A_118 = arith.constant 0 : i32
        %dma_start3A_119 = arith.constant 0 : i32
        %dma_start3A_120 = tpu.memref_slice %arg7[%add3A_117, %dma_start3A_118, %dma_start3A_119] : memref<26x1x512xi32, #tpu.memory_space<vmem>> -> memref<1x1x512xi32, #tpu.memory_space<vmem>>
        %dma_start3A_121 = tpu.memref_squeeze %dma_start3A_120 : memref<1x1x512xi32, #tpu.memory_space<vmem>> -> memref<1x512xi32, #tpu.memory_space<vmem>>
        %dma_start3A_122 = arith.constant 0 : i32
        %dma_start3A_123 = arith.constant 0 : i32
        %dma_start3A_124 = arith.constant 0 : i32
        %dma_start3A_125 = tpu.memref_slice %arg2[%dma_start3A_122, %dma_start3A_123, %dma_start3A_124] : memref<1x10000x64xbf16, #tpu.memory_space<hbm>> -> memref<1x10000x64xbf16, #tpu.memory_space<hbm>>
        tpu.enqueue_indirect_dma source(%dma_start3A_125 : memref<1x10000x64xbf16, #tpu.memory_space<hbm>>) target(%arg10 : memref<1x512x64xbf16, #tpu.memory_space<vmem>>) offsets(%dma_start3A_121 : memref<1x512xi32, #tpu.memory_space<vmem>>) semaphore(%arg13 : memref<!tpu.dma_semaphore, #tpu.memory_space<semaphore_mem>>)
      } else {
      }
    }
    %while3A_78 = arith.constant 1 : i32
    scf.for %while3A_85 = %while3A_76 to %while3A_72 step %while3A_78  : i32 {
      %mul3A_86 = arith.constant 2 : i32
      %mul3A_87 = arith.muli %while3A_85, %mul3A_86 : i32
      %dma_wait3A = arith.constant 0 : i32
      %dma_wait3A_88 = arith.constant 0 : i32
      %dma_wait3A_89 = tpu.memref_slice %arg7[%mul3A_87, %dma_wait3A, %dma_wait3A_88] : memref<26x1x512xi32, #tpu.memory_space<vmem>> -> memref<1x1x512xi32, #tpu.memory_space<vmem>>
      %dma_wait3A_90 = tpu.memref_squeeze %dma_wait3A_89 : memref<1x1x512xi32, #tpu.memory_space<vmem>> -> memref<1x512xi32, #tpu.memory_space<vmem>>
      %dma_wait3A_91 = arith.constant 0 : i32
      %dma_wait3A_92 = arith.constant 0 : i32
      %dma_wait3A_93 = arith.constant 0 : i32
      %dma_wait3A_94 = tpu.memref_slice %arg2[%dma_wait3A_91, %dma_wait3A_92, %dma_wait3A_93] : memref<1x10000x64xbf16, #tpu.memory_space<hbm>> -> memref<1x10000x64xbf16, #tpu.memory_space<hbm>>
      tpu.wait_indirect_dma semaphore(%arg12 : memref<!tpu.dma_semaphore, #tpu.memory_space<semaphore_mem>>) src(%dma_wait3A_94 : memref<1x10000x64xbf16, #tpu.memory_space<hbm>>) dst(%arg9 : memref<1x512x64xbf16, #tpu.memory_space<vmem>>)
      "tpu.region"() ({
        %run_scoped3A_116 = tpu.sem_alloc : memref<!tpu.dma_semaphore, #tpu.memory_space<semaphore_mem>>
        %dma_start3A_117 = arith.constant 0 : i32
        %dma_start3A_118 = arith.constant 0 : i32
        %dma_start3A_119 = tpu.memref_slice %arg8[%mul3A_87, %dma_start3A_117, %dma_start3A_118] : memref<26x1x512xi32, #tpu.memory_space<vmem>> -> memref<1x1x512xi32, #tpu.memory_space<vmem>>
        %dma_start3A_120 = tpu.memref_squeeze %dma_start3A_119 : memref<1x1x512xi32, #tpu.memory_space<vmem>> -> memref<1x512xi32, #tpu.memory_space<vmem>>
        %dma_start3A_121 = arith.constant 0 : i32
        %dma_start3A_122 = arith.constant 0 : i32
        %dma_start3A_123 = arith.constant 0 : i32
        %dma_start3A_124 = tpu.memref_slice %arg11[%dma_start3A_121, %dma_start3A_122, %dma_start3A_123] : memref<1x10240x64xbf16, #tpu.memory_space<vmem_shared>> -> memref<1x10240x64xbf16, #tpu.memory_space<vmem_shared>>
        tpu.enqueue_indirect_dma source(%arg9 : memref<1x512x64xbf16, #tpu.memory_space<vmem>>) target(%dma_start3A_124 : memref<1x10240x64xbf16, #tpu.memory_space<vmem_shared>>) offsets(%dma_start3A_120 : memref<1x512xi32, #tpu.memory_space<vmem>>) semaphore(%run_scoped3A_116 : memref<!tpu.dma_semaphore, #tpu.memory_space<semaphore_mem>>) {add = true}
        %dma_wait3A_125 = arith.constant 0 : i32
        %dma_wait3A_126 = arith.constant 0 : i32
        %dma_wait3A_127 = tpu.memref_slice %arg8[%mul3A_87, %dma_wait3A_125, %dma_wait3A_126] : memref<26x1x512xi32, #tpu.memory_space<vmem>> -> memref<1x1x512xi32, #tpu.memory_space<vmem>>
        %dma_wait3A_128 = tpu.memref_squeeze %dma_wait3A_127 : memref<1x1x512xi32, #tpu.memory_space<vmem>> -> memref<1x512xi32, #tpu.memory_space<vmem>>
        %dma_wait3A_129 = arith.constant 0 : i32
        %dma_wait3A_130 = arith.constant 0 : i32
        %dma_wait3A_131 = arith.constant 0 : i32
        %dma_wait3A_132 = tpu.memref_slice %arg11[%dma_wait3A_129, %dma_wait3A_130, %dma_wait3A_131] : memref<1x10240x64xbf16, #tpu.memory_space<vmem_shared>> -> memref<1x10240x64xbf16, #tpu.memory_space<vmem_shared>>
        tpu.wait_indirect_dma semaphore(%run_scoped3A_116 : memref<!tpu.dma_semaphore, #tpu.memory_space<semaphore_mem>>) src(%arg9 : memref<1x512x64xbf16, #tpu.memory_space<vmem>>) dst(%dma_wait3A_132 : memref<1x10240x64xbf16, #tpu.memory_space<vmem_shared>>)
        tpu.yield
      }) : () -> ()
      %add3A_95 = arith.constant 2 : i32
      %add3A_96 = arith.addi %mul3A_87, %add3A_95 : i32
      %lt3A = arith.cmpi slt, %add3A_96, %select_n3A_26 : i32
      %convert_element_type3A = arith.extui %lt3A : i1 to i32
      %cond3A = arith.constant 0 : i32
      %cond3A_97 = arith.cmpi ne, %convert_element_type3A, %cond3A : i32
      scf.if %cond3A_97 {
        %add3A_116 = arith.constant 2 : i32
        %add3A_117 = arith.addi %mul3A_87, %add3A_116 : i32
        %dma_start3A_118 = arith.constant 0 : i32
        %dma_start3A_119 = arith.constant 0 : i32
        %dma_start3A_120 = tpu.memref_slice %arg7[%add3A_117, %dma_start3A_118, %dma_start3A_119] : memref<26x1x512xi32, #tpu.memory_space<vmem>> -> memref<1x1x512xi32, #tpu.memory_space<vmem>>
        %dma_start3A_121 = tpu.memref_squeeze %dma_start3A_120 : memref<1x1x512xi32, #tpu.memory_space<vmem>> -> memref<1x512xi32, #tpu.memory_space<vmem>>
        %dma_start3A_122 = arith.constant 0 : i32
        %dma_start3A_123 = arith.constant 0 : i32
        %dma_start3A_124 = arith.constant 0 : i32
        %dma_start3A_125 = tpu.memref_slice %arg2[%dma_start3A_122, %dma_start3A_123, %dma_start3A_124] : memref<1x10000x64xbf16, #tpu.memory_space<hbm>> -> memref<1x10000x64xbf16, #tpu.memory_space<hbm>>
        tpu.enqueue_indirect_dma source(%dma_start3A_125 : memref<1x10000x64xbf16, #tpu.memory_space<hbm>>) target(%arg9 : memref<1x512x64xbf16, #tpu.memory_space<vmem>>) offsets(%dma_start3A_121 : memref<1x512xi32, #tpu.memory_space<vmem>>) semaphore(%arg12 : memref<!tpu.dma_semaphore, #tpu.memory_space<semaphore_mem>>)
      } else {
      }
      %add3A_98 = arith.constant 1 : i32
      %add3A_99 = arith.addi %mul3A_87, %add3A_98 : i32
      %dma_wait3A_100 = arith.constant 0 : i32
      %dma_wait3A_101 = arith.constant 0 : i32
      %dma_wait3A_102 = tpu.memref_slice %arg7[%add3A_99, %dma_wait3A_100, %dma_wait3A_101] : memref<26x1x512xi32, #tpu.memory_space<vmem>> -> memref<1x1x512xi32, #tpu.memory_space<vmem>>
      %dma_wait3A_103 = tpu.memref_squeeze %dma_wait3A_102 : memref<1x1x512xi32, #tpu.memory_space<vmem>> -> memref<1x512xi32, #tpu.memory_space<vmem>>
      %dma_wait3A_104 = arith.constant 0 : i32
      %dma_wait3A_105 = arith.constant 0 : i32
      %dma_wait3A_106 = arith.constant 0 : i32
      %dma_wait3A_107 = tpu.memref_slice %arg2[%dma_wait3A_104, %dma_wait3A_105, %dma_wait3A_106] : memref<1x10000x64xbf16, #tpu.memory_space<hbm>> -> memref<1x10000x64xbf16, #tpu.memory_space<hbm>>
      tpu.wait_indirect_dma semaphore(%arg13 : memref<!tpu.dma_semaphore, #tpu.memory_space<semaphore_mem>>) src(%dma_wait3A_107 : memref<1x10000x64xbf16, #tpu.memory_space<hbm>>) dst(%arg10 : memref<1x512x64xbf16, #tpu.memory_space<vmem>>)
      %add3A_108 = arith.constant 1 : i32
      %add3A_109 = arith.addi %mul3A_87, %add3A_108 : i32
      "tpu.region"() ({
        %run_scoped3A_116 = tpu.sem_alloc : memref<!tpu.dma_semaphore, #tpu.memory_space<semaphore_mem>>
        %dma_start3A_117 = arith.constant 0 : i32
        %dma_start3A_118 = arith.constant 0 : i32
        %dma_start3A_119 = tpu.memref_slice %arg8[%add3A_109, %dma_start3A_117, %dma_start3A_118] : memref<26x1x512xi32, #tpu.memory_space<vmem>> -> memref<1x1x512xi32, #tpu.memory_space<vmem>>
        %dma_start3A_120 = tpu.memref_squeeze %dma_start3A_119 : memref<1x1x512xi32, #tpu.memory_space<vmem>> -> memref<1x512xi32, #tpu.memory_space<vmem>>
        %dma_start3A_121 = arith.constant 0 : i32
        %dma_start3A_122 = arith.constant 0 : i32
        %dma_start3A_123 = arith.constant 0 : i32
        %dma_start3A_124 = tpu.memref_slice %arg11[%dma_start3A_121, %dma_start3A_122, %dma_start3A_123] : memref<1x10240x64xbf16, #tpu.memory_space<vmem_shared>> -> memref<1x10240x64xbf16, #tpu.memory_space<vmem_shared>>
        tpu.enqueue_indirect_dma source(%arg10 : memref<1x512x64xbf16, #tpu.memory_space<vmem>>) target(%dma_start3A_124 : memref<1x10240x64xbf16, #tpu.memory_space<vmem_shared>>) offsets(%dma_start3A_120 : memref<1x512xi32, #tpu.memory_space<vmem>>) semaphore(%run_scoped3A_116 : memref<!tpu.dma_semaphore, #tpu.memory_space<semaphore_mem>>) {add = true}
        %dma_wait3A_125 = arith.constant 0 : i32
        %dma_wait3A_126 = arith.constant 0 : i32
        %dma_wait3A_127 = tpu.memref_slice %arg8[%add3A_109, %dma_wait3A_125, %dma_wait3A_126] : memref<26x1x512xi32, #tpu.memory_space<vmem>> -> memref<1x1x512xi32, #tpu.memory_space<vmem>>
        %dma_wait3A_128 = tpu.memref_squeeze %dma_wait3A_127 : memref<1x1x512xi32, #tpu.memory_space<vmem>> -> memref<1x512xi32, #tpu.memory_space<vmem>>
        %dma_wait3A_129 = arith.constant 0 : i32
        %dma_wait3A_130 = arith.constant 0 : i32
        %dma_wait3A_131 = arith.constant 0 : i32
        %dma_wait3A_132 = tpu.memref_slice %arg11[%dma_wait3A_129, %dma_wait3A_130, %dma_wait3A_131] : memref<1x10240x64xbf16, #tpu.memory_space<vmem_shared>> -> memref<1x10240x64xbf16, #tpu.memory_space<vmem_shared>>
        tpu.wait_indirect_dma semaphore(%run_scoped3A_116 : memref<!tpu.dma_semaphore, #tpu.memory_space<semaphore_mem>>) src(%arg10 : memref<1x512x64xbf16, #tpu.memory_space<vmem>>) dst(%dma_wait3A_132 : memref<1x10240x64xbf16, #tpu.memory_space<vmem_shared>>)
        tpu.yield
      }) : () -> ()
      %add3A_110 = arith.constant 3 : i32
      %add3A_111 = arith.addi %mul3A_87, %add3A_110 : i32
      %lt3A_112 = arith.cmpi slt, %add3A_111, %select_n3A_26 : i32
      %convert_element_type3A_113 = arith.extui %lt3A_112 : i1 to i32
      %cond3A_114 = arith.constant 0 : i32
      %cond3A_115 = arith.cmpi ne, %convert_element_type3A_113, %cond3A_114 : i32
      scf.if %cond3A_115 {
        %add3A_116 = arith.constant 3 : i32
        %add3A_117 = arith.addi %mul3A_87, %add3A_116 : i32
        %dma_start3A_118 = arith.constant 0 : i32
        %dma_start3A_119 = arith.constant 0 : i32
        %dma_start3A_120 = tpu.memref_slice %arg7[%add3A_117, %dma_start3A_118, %dma_start3A_119] : memref<26x1x512xi32, #tpu.memory_space<vmem>> -> memref<1x1x512xi32, #tpu.memory_space<vmem>>
        %dma_start3A_121 = tpu.memref_squeeze %dma_start3A_120 : memref<1x1x512xi32, #tpu.memory_space<vmem>> -> memref<1x512xi32, #tpu.memory_space<vmem>>
        %dma_start3A_122 = arith.constant 0 : i32
        %dma_start3A_123 = arith.constant 0 : i32
        %dma_start3A_124 = arith.constant 0 : i32
        %dma_start3A_125 = tpu.memref_slice %arg2[%dma_start3A_122, %dma_start3A_123, %dma_start3A_124] : memref<1x10000x64xbf16, #tpu.memory_space<hbm>> -> memref<1x10000x64xbf16, #tpu.memory_space<hbm>>
        tpu.enqueue_indirect_dma source(%dma_start3A_125 : memref<1x10000x64xbf16, #tpu.memory_space<hbm>>) target(%arg10 : memref<1x512x64xbf16, #tpu.memory_space<vmem>>) offsets(%dma_start3A_121 : memref<1x512xi32, #tpu.memory_space<vmem>>) semaphore(%arg13 : memref<!tpu.dma_semaphore, #tpu.memory_space<semaphore_mem>>)
      } else {
      }
    }
    %barrier3A_79 = arith.constant 0 : index
    tpu.barrier barrier_id(%barrier3A_79)
    %mul3A_80 = arith.constant 640 : i32
    %mul3A_81 = arith.muli %arg1, %mul3A_80 : i32
    %mul3A_82 = arith.constant 640 : i32
    %mul3A_83 = arith.muli %arg1, %mul3A_82 : i32
    %run_scoped3A_84 = arith.constant 0 : i32
    "tpu.region"() ({
      %run_scoped3A_85 = tpu.sem_alloc : memref<!tpu.dma_semaphore, #tpu.memory_space<semaphore_mem>>
      %dma_start3A_86 = arith.constant 0 : i32
      %dma_start3A_87 = tpu.memref_slice %arg6[%arg0, %mul3A_83, %dma_start3A_86] : memref<2x10240x64xbf16, #tpu.memory_space<hbm>> -> memref<1x640x64xbf16, #tpu.memory_space<hbm>>
      %dma_start3A_88 = tpu.memref_squeeze %dma_start3A_87 : memref<1x640x64xbf16, #tpu.memory_space<hbm>> -> memref<640x64xbf16, #tpu.memory_space<hbm>>
      %dma_start3A_89 = arith.constant 0 : i32
      %dma_start3A_90 = tpu.memref_slice %arg11[%run_scoped3A_84, %mul3A_81, %dma_start3A_89] : memref<1x10240x64xbf16, #tpu.memory_space<vmem_shared>> -> memref<1x640x64xbf16, #tpu.memory_space<vmem_shared>>
      %dma_start3A_91 = tpu.memref_squeeze %dma_start3A_90 : memref<1x640x64xbf16, #tpu.memory_space<vmem_shared>> -> memref<640x64xbf16, #tpu.memory_space<vmem_shared>>
      tpu.enqueue_dma source(%dma_start3A_91 : memref<640x64xbf16, #tpu.memory_space<vmem_shared>>) target(%dma_start3A_88 : memref<640x64xbf16, #tpu.memory_space<hbm>>) target_semaphore(%run_scoped3A_85 : memref<!tpu.dma_semaphore, #tpu.memory_space<semaphore_mem>>)
      %dma_wait3A = arith.constant 0 : i32
      %dma_wait3A_92 = tpu.memref_slice %arg6[%arg0, %mul3A_83, %dma_wait3A] : memref<2x10240x64xbf16, #tpu.memory_space<hbm>> -> memref<1x640x64xbf16, #tpu.memory_space<hbm>>
      %dma_wait3A_93 = tpu.memref_squeeze %dma_wait3A_92 : memref<1x640x64xbf16, #tpu.memory_space<hbm>> -> memref<640x64xbf16, #tpu.memory_space<hbm>>
      %dma_wait3A_94 = arith.constant 0 : i32
      %dma_wait3A_95 = tpu.memref_slice %arg11[%run_scoped3A_84, %mul3A_81, %dma_wait3A_94] : memref<1x10240x64xbf16, #tpu.memory_space<vmem_shared>> -> memref<1x640x64xbf16, #tpu.memory_space<vmem_shared>>
      %dma_wait3A_96 = tpu.memref_squeeze %dma_wait3A_95 : memref<1x640x64xbf16, #tpu.memory_space<vmem_shared>> -> memref<640x64xbf16, #tpu.memory_space<vmem_shared>>
      tpu.wait_dma2 semaphore(%run_scoped3A_85 : memref<!tpu.dma_semaphore, #tpu.memory_space<semaphore_mem>>) src(%dma_wait3A_96 : memref<640x64xbf16, #tpu.memory_space<vmem_shared>>) dst(%dma_wait3A_93 : memref<640x64xbf16, #tpu.memory_space<hbm>>)
      tpu.yield
    }) : () -> ()
    return
  }
}

#map = affine_map<(d0, d1) -> (0, 0, 0)>
#map1 = affine_map<(d0, d1) -> (0, 0)>
module attributes {stable_mosaic.version = 14 : i64} {
  func.func @deg(%arg0: i32, %arg1: i32, %arg2: memref<32x80x128xi32, #tpu.memory_space<hbm>>, %arg3: memref<128x8xf32, #tpu.memory_space<hbm>>, %arg4: memref<640x8xf32, #tpu.memory_space<hbm>>, %arg5: memref<2x10240x8xf32, #tpu.memory_space<hbm>>, %arg6: memref<80x128xi32, #tpu.memory_space<vmem>>, %arg7: memref<128x8xf32, #tpu.memory_space<vmem>>, %arg8: memref<10240x8xf32, #tpu.memory_space<vmem_shared>>) attributes {dimension_semantics = [#tpu.dimension_semantics<core_parallel>, #tpu.dimension_semantics<subcore_parallel>], iteration_bounds = array<i64: 2, 16>, scalar_prefetch = 0 : i64, scratch_operands = 3 : i64, tpu.core_type = #tpu.core_type<sc_vector_subcore>, window_params = [{transform_indices = #map}, {transform_indices = #map1}, {transform_indices = #map1}, {transform_indices = #map}]} {
    %mul3A = arith.constant 2 : i32
    %mul3A_0 = arith.muli %arg1, %mul3A : i32
    %add3A = arith.addi %mul3A_0, %arg0 : i32
    "tpu.region"() ({
      %run_scoped3A = tpu.sem_alloc : memref<!tpu.dma_semaphore, #tpu.memory_space<semaphore_mem>>
      %dma_start3A = arith.constant 0 : i32
      %dma_start3A_12 = arith.constant 0 : i32
      %dma_start3A_13 = tpu.memref_slice %arg2[%add3A, %dma_start3A, %dma_start3A_12] : memref<32x80x128xi32, #tpu.memory_space<hbm>> -> memref<1x80x128xi32, #tpu.memory_space<hbm>>
      %dma_start3A_14 = tpu.memref_squeeze %dma_start3A_13 : memref<1x80x128xi32, #tpu.memory_space<hbm>> -> memref<80x128xi32, #tpu.memory_space<hbm>>
      %dma_start3A_15 = arith.constant 0 : i32
      %dma_start3A_16 = arith.constant 0 : i32
      %dma_start3A_17 = tpu.memref_slice %arg2[%add3A, %dma_start3A_15, %dma_start3A_16] : memref<32x80x128xi32, #tpu.memory_space<hbm>> -> memref<1x80x128xi32, #tpu.memory_space<hbm>>
      %dma_start3A_18 = tpu.memref_squeeze %dma_start3A_17 : memref<1x80x128xi32, #tpu.memory_space<hbm>> -> memref<80x128xi32, #tpu.memory_space<hbm>>
      tpu.enqueue_dma source(%dma_start3A_18 : memref<80x128xi32, #tpu.memory_space<hbm>>) target(%arg6 : memref<80x128xi32, #tpu.memory_space<vmem>>) target_semaphore(%run_scoped3A : memref<!tpu.dma_semaphore, #tpu.memory_space<semaphore_mem>>)
      %dma_wait3A = arith.constant 0 : i32
      %dma_wait3A_19 = arith.constant 0 : i32
      %dma_wait3A_20 = tpu.memref_slice %arg2[%add3A, %dma_wait3A, %dma_wait3A_19] : memref<32x80x128xi32, #tpu.memory_space<hbm>> -> memref<1x80x128xi32, #tpu.memory_space<hbm>>
      %dma_wait3A_21 = tpu.memref_squeeze %dma_wait3A_20 : memref<1x80x128xi32, #tpu.memory_space<hbm>> -> memref<80x128xi32, #tpu.memory_space<hbm>>
      %dma_wait3A_22 = arith.constant 0 : i32
      %dma_wait3A_23 = arith.constant 0 : i32
      %dma_wait3A_24 = tpu.memref_slice %arg2[%add3A, %dma_wait3A_22, %dma_wait3A_23] : memref<32x80x128xi32, #tpu.memory_space<hbm>> -> memref<1x80x128xi32, #tpu.memory_space<hbm>>
      %dma_wait3A_25 = tpu.memref_squeeze %dma_wait3A_24 : memref<1x80x128xi32, #tpu.memory_space<hbm>> -> memref<80x128xi32, #tpu.memory_space<hbm>>
      tpu.wait_dma2 semaphore(%run_scoped3A : memref<!tpu.dma_semaphore, #tpu.memory_space<semaphore_mem>>) src(%dma_wait3A_25 : memref<80x128xi32, #tpu.memory_space<hbm>>) dst(%arg6 : memref<80x128xi32, #tpu.memory_space<vmem>>)
      tpu.yield
    }) : () -> ()
    "tpu.region"() ({
      %run_scoped3A = tpu.sem_alloc : memref<!tpu.dma_semaphore, #tpu.memory_space<semaphore_mem>>
      tpu.enqueue_dma source(%arg3 : memref<128x8xf32, #tpu.memory_space<hbm>>) target(%arg7 : memref<128x8xf32, #tpu.memory_space<vmem>>) target_semaphore(%run_scoped3A : memref<!tpu.dma_semaphore, #tpu.memory_space<semaphore_mem>>)
      tpu.wait_dma2 semaphore(%run_scoped3A : memref<!tpu.dma_semaphore, #tpu.memory_space<semaphore_mem>>) src(%arg3 : memref<128x8xf32, #tpu.memory_space<hbm>>) dst(%arg7 : memref<128x8xf32, #tpu.memory_space<vmem>>)
      tpu.yield
    }) : () -> ()
    %mul3A_1 = arith.constant 640 : i32
    %mul3A_2 = arith.muli %arg1, %mul3A_1 : i32
    "tpu.region"() ({
      %run_scoped3A = tpu.sem_alloc : memref<!tpu.dma_semaphore, #tpu.memory_space<semaphore_mem>>
      %dma_start3A = arith.constant 0 : i32
      %dma_start3A_12 = tpu.memref_slice %arg8[%mul3A_2, %dma_start3A] : memref<10240x8xf32, #tpu.memory_space<vmem_shared>> -> memref<640x8xf32, #tpu.memory_space<vmem_shared>>
      tpu.enqueue_dma source(%arg4 : memref<640x8xf32, #tpu.memory_space<hbm>>) target(%dma_start3A_12 : memref<640x8xf32, #tpu.memory_space<vmem_shared>>) target_semaphore(%run_scoped3A : memref<!tpu.dma_semaphore, #tpu.memory_space<semaphore_mem>>)
      %dma_wait3A = arith.constant 0 : i32
      %dma_wait3A_13 = tpu.memref_slice %arg8[%mul3A_2, %dma_wait3A] : memref<10240x8xf32, #tpu.memory_space<vmem_shared>> -> memref<640x8xf32, #tpu.memory_space<vmem_shared>>
      tpu.wait_dma2 semaphore(%run_scoped3A : memref<!tpu.dma_semaphore, #tpu.memory_space<semaphore_mem>>) src(%arg4 : memref<640x8xf32, #tpu.memory_space<hbm>>) dst(%dma_wait3A_13 : memref<640x8xf32, #tpu.memory_space<vmem_shared>>)
      tpu.yield
    }) : () -> ()
    %barrier3A = arith.constant 0 : index
    tpu.barrier barrier_id(%barrier3A)
    %scan3A = arith.constant 0 : i32
    %scan3A_3 = arith.constant 80 : i32
    %scan3A_4 = arith.addi %scan3A, %scan3A_3 : i32
    %scan3A_5 = arith.constant 1 : i32
    scf.for %scan3A_12 = %scan3A to %scan3A_4 step %scan3A_5  : i32 {
      %mul3A_13 = arith.constant 1 : i32
      %mul3A_14 = arith.muli %scan3A_12, %mul3A_13 : i32
      %add3A_15 = arith.constant 0 : i32
      %add3A_16 = arith.addi %add3A_15, %mul3A_14 : i32
      "tpu.region"() ({
        %run_scoped3A = tpu.sem_alloc : memref<!tpu.dma_semaphore, #tpu.memory_space<semaphore_mem>>
        %dma_start3A = arith.constant 0 : i32
        %dma_start3A_17 = tpu.memref_slice %arg6[%add3A_16, %dma_start3A] : memref<80x128xi32, #tpu.memory_space<vmem>> -> memref<1x128xi32, #tpu.memory_space<vmem>>
        %dma_start3A_18 = tpu.memref_squeeze %dma_start3A_17 : memref<1x128xi32, #tpu.memory_space<vmem>> -> memref<128xi32, #tpu.memory_space<vmem>>
        %dma_start3A_19 = arith.constant 0 : i32
        %dma_start3A_20 = arith.constant 0 : i32
        %dma_start3A_21 = tpu.memref_slice %arg8[%dma_start3A_19, %dma_start3A_20] : memref<10240x8xf32, #tpu.memory_space<vmem_shared>> -> memref<10240x8xf32, #tpu.memory_space<vmem_shared>>
        tpu.enqueue_indirect_dma source(%arg7 : memref<128x8xf32, #tpu.memory_space<vmem>>) target(%dma_start3A_21 : memref<10240x8xf32, #tpu.memory_space<vmem_shared>>) offsets(%dma_start3A_18 : memref<128xi32, #tpu.memory_space<vmem>>) semaphore(%run_scoped3A : memref<!tpu.dma_semaphore, #tpu.memory_space<semaphore_mem>>) {add = true}
        %dma_wait3A = arith.constant 0 : i32
        %dma_wait3A_22 = tpu.memref_slice %arg6[%add3A_16, %dma_wait3A] : memref<80x128xi32, #tpu.memory_space<vmem>> -> memref<1x128xi32, #tpu.memory_space<vmem>>
        %dma_wait3A_23 = tpu.memref_squeeze %dma_wait3A_22 : memref<1x128xi32, #tpu.memory_space<vmem>> -> memref<128xi32, #tpu.memory_space<vmem>>
        %dma_wait3A_24 = arith.constant 0 : i32
        %dma_wait3A_25 = arith.constant 0 : i32
        %dma_wait3A_26 = tpu.memref_slice %arg8[%dma_wait3A_24, %dma_wait3A_25] : memref<10240x8xf32, #tpu.memory_space<vmem_shared>> -> memref<10240x8xf32, #tpu.memory_space<vmem_shared>>
        tpu.wait_indirect_dma semaphore(%run_scoped3A : memref<!tpu.dma_semaphore, #tpu.memory_space<semaphore_mem>>) src(%arg7 : memref<128x8xf32, #tpu.memory_space<vmem>>) dst(%dma_wait3A_26 : memref<10240x8xf32, #tpu.memory_space<vmem_shared>>)
        tpu.yield
      }) : () -> ()
    }
    %scan3A_6 = arith.constant 80 : i32
    %barrier3A_7 = arith.constant 0 : index
    tpu.barrier barrier_id(%barrier3A_7)
    %mul3A_8 = arith.constant 640 : i32
    %mul3A_9 = arith.muli %arg1, %mul3A_8 : i32
    %mul3A_10 = arith.constant 640 : i32
    %mul3A_11 = arith.muli %arg1, %mul3A_10 : i32
    "tpu.region"() ({
      %run_scoped3A = tpu.sem_alloc : memref<!tpu.dma_semaphore, #tpu.memory_space<semaphore_mem>>
      %dma_start3A = arith.constant 0 : i32
      %dma_start3A_12 = tpu.memref_slice %arg5[%arg0, %mul3A_11, %dma_start3A] : memref<2x10240x8xf32, #tpu.memory_space<hbm>> -> memref<1x640x8xf32, #tpu.memory_space<hbm>>
      %dma_start3A_13 = tpu.memref_squeeze %dma_start3A_12 : memref<1x640x8xf32, #tpu.memory_space<hbm>> -> memref<640x8xf32, #tpu.memory_space<hbm>>
      %dma_start3A_14 = arith.constant 0 : i32
      %dma_start3A_15 = tpu.memref_slice %arg8[%mul3A_9, %dma_start3A_14] : memref<10240x8xf32, #tpu.memory_space<vmem_shared>> -> memref<640x8xf32, #tpu.memory_space<vmem_shared>>
      tpu.enqueue_dma source(%dma_start3A_15 : memref<640x8xf32, #tpu.memory_space<vmem_shared>>) target(%dma_start3A_13 : memref<640x8xf32, #tpu.memory_space<hbm>>) target_semaphore(%run_scoped3A : memref<!tpu.dma_semaphore, #tpu.memory_space<semaphore_mem>>)
      %dma_wait3A = arith.constant 0 : i32
      %dma_wait3A_16 = tpu.memref_slice %arg5[%arg0, %mul3A_11, %dma_wait3A] : memref<2x10240x8xf32, #tpu.memory_space<hbm>> -> memref<1x640x8xf32, #tpu.memory_space<hbm>>
      %dma_wait3A_17 = tpu.memref_squeeze %dma_wait3A_16 : memref<1x640x8xf32, #tpu.memory_space<hbm>> -> memref<640x8xf32, #tpu.memory_space<hbm>>
      %dma_wait3A_18 = arith.constant 0 : i32
      %dma_wait3A_19 = tpu.memref_slice %arg8[%mul3A_9, %dma_wait3A_18] : memref<10240x8xf32, #tpu.memory_space<vmem_shared>> -> memref<640x8xf32, #tpu.memory_space<vmem_shared>>
      tpu.wait_dma2 semaphore(%run_scoped3A : memref<!tpu.dma_semaphore, #tpu.memory_space<semaphore_mem>>) src(%dma_wait3A_19 : memref<640x8xf32, #tpu.memory_space<vmem_shared>>) dst(%dma_wait3A_17 : memref<640x8xf32, #tpu.memory_space<hbm>>)
      tpu.yield
    }) : () -> ()
    return
  }
}

module attributes {stable_mosaic.version = 14 : i64} {
  func.func @_mm1_body(%arg0: memref<10000x128xf32, #tpu.memory_space<vmem>>, %arg1: memref<128x64xf32, #tpu.memory_space<vmem>>, %arg2: memref<10000x64xf32, #tpu.memory_space<vmem>>) attributes {dimension_semantics = [], scalar_prefetch = 0 : i64, scratch_operands = 0 : i64, tpu.core_type = #tpu.core_type<tc>} {
    %get3A = arith.constant 0 : index
    %get3A_0 = arith.constant 0 : index
    %get3A_1 = vector.load %arg0[%get3A, %get3A_0] : memref<10000x128xf32, #tpu.memory_space<vmem>>, vector<10000x128xf32>
    %get3A_2 = arith.constant 0 : index
    %get3A_3 = arith.constant 0 : index
    %get3A_4 = vector.load %arg1[%get3A_2, %get3A_3] : memref<128x64xf32, #tpu.memory_space<vmem>>, vector<128x64xf32>
    %dot_general3A = arith.constant dense<0.000000e+00> : vector<10000x64xf32>
    %dot_general3A_5 = tpu.matmul %get3A_1, %get3A_4, %dot_general3A {dimension_numbers = #tpu.dot_dimension_numbers<[1], [0], [0], [1], [0, 0, 1, 1], [], []>, transpose_lhs_hint = false} : vector<10000x128xf32>, vector<128x64xf32>, vector<10000x64xf32> -> vector<10000x64xf32>
    %swap3A = arith.constant 0 : index
    %swap3A_6 = arith.constant 0 : index
    %swap3A_7 = vector.load %arg2[%swap3A, %swap3A_6] : memref<10000x64xf32, #tpu.memory_space<vmem>>, vector<10000x64xf32>
    tpu.vector_store %arg2[%swap3A, %swap3A_6], %dot_general3A_5 {strides = array<i32>} : memref<10000x64xf32, #tpu.memory_space<vmem>>, vector<10000x64xf32>,
    return
  }
}

module attributes {stable_mosaic.version = 14 : i64} {
  func.func @_scale_body(%arg0: memref<2x10240x8xf32, #tpu.memory_space<vmem>>, %arg1: memref<10000x64xf32, #tpu.memory_space<vmem>>, %arg2: memref<10000x64xbf16, #tpu.memory_space<vmem>>, %arg3: memref<10000x1xf32, #tpu.memory_space<vmem>>) attributes {dimension_semantics = [], scalar_prefetch = 0 : i64, scratch_operands = 0 : i64, tpu.core_type = #tpu.core_type<tc>} {
    %get3A = arith.constant 0 : index
    %get3A_0 = arith.constant 0 : index
    %get3A_1 = arith.constant 0 : index
    %get3A_2 = vector.load %arg0[%get3A, %get3A_0, %get3A_1] : memref<2x10240x8xf32, #tpu.memory_space<vmem>>, vector<1x10000x1xf32>
    %get3A_3 = vector.shape_cast %get3A_2 : vector<1x10000x1xf32> to vector<10000x1xf32>
    %get3A_4 = arith.constant 1 : index
    %get3A_5 = arith.constant 0 : index
    %get3A_6 = arith.constant 0 : index
    %get3A_7 = vector.load %arg0[%get3A_4, %get3A_5, %get3A_6] : memref<2x10240x8xf32, #tpu.memory_space<vmem>>, vector<1x10000x1xf32>
    %get3A_8 = vector.shape_cast %get3A_7 : vector<1x10000x1xf32> to vector<10000x1xf32>
    %add3A = arith.addf %get3A_3, %get3A_8 : vector<10000x1xf32>
    %add3A_9 = arith.constant 1.000000e+00 : f32
    %add3A_10 = vector.broadcast %add3A_9 : f32 to vector<10000x1xf32>
    %add3A_11 = arith.addf %add3A, %add3A_10 : vector<10000x1xf32>
    %rsqrt3A = math.rsqrt %add3A_11 : vector<10000x1xf32>
    %swap3A = arith.constant 0 : index
    %swap3A_12 = arith.constant 0 : index
    %swap3A_13 = vector.load %arg3[%swap3A, %swap3A_12] : memref<10000x1xf32, #tpu.memory_space<vmem>>, vector<10000x1xf32>
    tpu.vector_store %arg3[%swap3A, %swap3A_12], %rsqrt3A {strides = array<i32>} : memref<10000x1xf32, #tpu.memory_space<vmem>>, vector<10000x1xf32>,
    %get3A_14 = arith.constant 0 : index
    %get3A_15 = arith.constant 0 : index
    %get3A_16 = vector.load %arg1[%get3A_14, %get3A_15] : memref<10000x64xf32, #tpu.memory_space<vmem>>, vector<10000x64xf32>
    %mul3A = vector.broadcast %rsqrt3A : vector<10000x1xf32> to vector<10000x64xf32>
    %mul3A_17 = arith.mulf %get3A_16, %mul3A : vector<10000x64xf32>
    %convert_element_type3A = arith.truncf %mul3A_17 : vector<10000x64xf32> to vector<10000x64xbf16>
    %swap3A_18 = arith.constant 0 : index
    %swap3A_19 = arith.constant 0 : index
    %swap3A_20 = vector.load %arg2[%swap3A_18, %swap3A_19] : memref<10000x64xbf16, #tpu.memory_space<vmem>>, vector<10000x64xbf16>
    tpu.vector_store %arg2[%swap3A_18, %swap3A_19], %convert_element_type3A {strides = array<i32>} : memref<10000x64xbf16, #tpu.memory_space<vmem>>, vector<10000x64xbf16>,
    return
  }
}

module attributes {stable_mosaic.version = 14 : i64} {
  func.func @_layer_body(%arg0: memref<2x10240x64xbf16, #tpu.memory_space<vmem>>, %arg1: memref<10000x64xf32, #tpu.memory_space<vmem>>, %arg2: memref<10000x1xf32, #tpu.memory_space<vmem>>, %arg3: memref<1x64xf32, #tpu.memory_space<vmem>>, %arg4: memref<64x32xf32, #tpu.memory_space<vmem>>, %arg5: memref<10000x32xbf16, #tpu.memory_space<vmem>>, %arg6: memref<10000x32xf32, #tpu.memory_space<vmem>>) attributes {dimension_semantics = [], scalar_prefetch = 0 : i64, scratch_operands = 0 : i64, tpu.core_type = #tpu.core_type<tc>} {
    %get3A = arith.constant 0 : index
    %get3A_0 = arith.constant 0 : index
    %get3A_1 = vector.load %arg2[%get3A, %get3A_0] : memref<10000x1xf32, #tpu.memory_space<vmem>>, vector<10000x1xf32>
    %get3A_2 = arith.constant 0 : index
    %get3A_3 = arith.constant 0 : index
    %get3A_4 = arith.constant 0 : index
    %get3A_5 = vector.load %arg0[%get3A_2, %get3A_3, %get3A_4] : memref<2x10240x64xbf16, #tpu.memory_space<vmem>>, vector<1x10000x64xbf16>
    %get3A_6 = vector.shape_cast %get3A_5 : vector<1x10000x64xbf16> to vector<10000x64xbf16>
    %convert_element_type3A = arith.extf %get3A_6 : vector<10000x64xbf16> to vector<10000x64xf32>
    %get3A_7 = arith.constant 1 : index
    %get3A_8 = arith.constant 0 : index
    %get3A_9 = arith.constant 0 : index
    %get3A_10 = vector.load %arg0[%get3A_7, %get3A_8, %get3A_9] : memref<2x10240x64xbf16, #tpu.memory_space<vmem>>, vector<1x10000x64xbf16>
    %get3A_11 = vector.shape_cast %get3A_10 : vector<1x10000x64xbf16> to vector<10000x64xbf16>
    %convert_element_type3A_12 = arith.extf %get3A_11 : vector<10000x64xbf16> to vector<10000x64xf32>
    %add3A = arith.addf %convert_element_type3A, %convert_element_type3A_12 : vector<10000x64xf32>
    %get3A_13 = arith.constant 0 : index
    %get3A_14 = arith.constant 0 : index
    %get3A_15 = vector.load %arg1[%get3A_13, %get3A_14] : memref<10000x64xf32, #tpu.memory_space<vmem>>, vector<10000x64xf32>
    %mul3A = vector.broadcast %get3A_1 : vector<10000x1xf32> to vector<10000x64xf32>
    %mul3A_16 = arith.mulf %get3A_15, %mul3A : vector<10000x64xf32>
    %add3A_17 = arith.addf %add3A, %mul3A_16 : vector<10000x64xf32>
    %mul3A_18 = vector.broadcast %get3A_1 : vector<10000x1xf32> to vector<10000x64xf32>
    %mul3A_19 = arith.mulf %add3A_17, %mul3A_18 : vector<10000x64xf32>
    %get3A_20 = arith.constant 0 : index
    %get3A_21 = arith.constant 0 : index
    %get3A_22 = vector.load %arg3[%get3A_20, %get3A_21] : memref<1x64xf32, #tpu.memory_space<vmem>>, vector<1x64xf32>
    %add3A_23 = vector.broadcast %get3A_22 : vector<1x64xf32> to vector<10000x64xf32>
    %add3A_24 = arith.addf %mul3A_19, %add3A_23 : vector<10000x64xf32>
    %max3A = arith.constant 0.000000e+00 : f32
    %max3A_25 = vector.broadcast %max3A : f32 to vector<10000x64xf32>
    %max3A_26 = arith.maximumf %add3A_24, %max3A_25 : vector<10000x64xf32>
    %get3A_27 = arith.constant 0 : index
    %get3A_28 = arith.constant 0 : index
    %get3A_29 = vector.load %arg4[%get3A_27, %get3A_28] : memref<64x32xf32, #tpu.memory_space<vmem>>, vector<64x32xf32>
    %dot_general3A = arith.constant dense<0.000000e+00> : vector<10000x32xf32>
    %dot_general3A_30 = tpu.matmul %max3A_26, %get3A_29, %dot_general3A {dimension_numbers = #tpu.dot_dimension_numbers<[1], [0], [0], [1], [0, 0, 1, 1], [], []>, transpose_lhs_hint = false} : vector<10000x64xf32>, vector<64x32xf32>, vector<10000x32xf32> -> vector<10000x32xf32>
    %mul3A_31 = vector.broadcast %get3A_1 : vector<10000x1xf32> to vector<10000x32xf32>
    %mul3A_32 = arith.mulf %dot_general3A_30, %mul3A_31 : vector<10000x32xf32>
    %swap3A = arith.constant 0 : index
    %swap3A_33 = arith.constant 0 : index
    %swap3A_34 = vector.load %arg6[%swap3A, %swap3A_33] : memref<10000x32xf32, #tpu.memory_space<vmem>>, vector<10000x32xf32>
    tpu.vector_store %arg6[%swap3A, %swap3A_33], %mul3A_32 {strides = array<i32>} : memref<10000x32xf32, #tpu.memory_space<vmem>>, vector<10000x32xf32>,
    %convert_element_type3A_35 = arith.truncf %mul3A_32 : vector<10000x32xf32> to vector<10000x32xbf16>
    %swap3A_36 = arith.constant 0 : index
    %swap3A_37 = arith.constant 0 : index
    %swap3A_38 = vector.load %arg5[%swap3A_36, %swap3A_37] : memref<10000x32xbf16, #tpu.memory_space<vmem>>, vector<10000x32xbf16>
    tpu.vector_store %arg5[%swap3A_36, %swap3A_37], %convert_element_type3A_35 {strides = array<i32>} : memref<10000x32xbf16, #tpu.memory_space<vmem>>, vector<10000x32xbf16>,
    return
  }
}

module attributes {stable_mosaic.version = 14 : i64} {
  func.func @_final_body(%arg0: memref<2x10240x32xbf16, #tpu.memory_space<vmem>>, %arg1: memref<10000x32xf32, #tpu.memory_space<vmem>>, %arg2: memref<10000x1xf32, #tpu.memory_space<vmem>>, %arg3: memref<1x32xf32, #tpu.memory_space<vmem>>, %arg4: memref<10000x20xf32, #tpu.memory_space<vmem>>) attributes {dimension_semantics = [], scalar_prefetch = 0 : i64, scratch_operands = 0 : i64, tpu.core_type = #tpu.core_type<tc>} {
    %get3A = arith.constant 0 : index
    %get3A_0 = arith.constant 0 : index
    %get3A_1 = arith.constant 0 : index
    %get3A_2 = vector.load %arg0[%get3A, %get3A_0, %get3A_1] : memref<2x10240x32xbf16, #tpu.memory_space<vmem>>, vector<1x10000x32xbf16>
    %get3A_3 = vector.shape_cast %get3A_2 : vector<1x10000x32xbf16> to vector<10000x32xbf16>
    %convert_element_type3A = arith.extf %get3A_3 : vector<10000x32xbf16> to vector<10000x32xf32>
    %get3A_4 = arith.constant 1 : index
    %get3A_5 = arith.constant 0 : index
    %get3A_6 = arith.constant 0 : index
    %get3A_7 = vector.load %arg0[%get3A_4, %get3A_5, %get3A_6] : memref<2x10240x32xbf16, #tpu.memory_space<vmem>>, vector<1x10000x32xbf16>
    %get3A_8 = vector.shape_cast %get3A_7 : vector<1x10000x32xbf16> to vector<10000x32xbf16>
    %convert_element_type3A_9 = arith.extf %get3A_8 : vector<10000x32xbf16> to vector<10000x32xf32>
    %add3A = arith.addf %convert_element_type3A, %convert_element_type3A_9 : vector<10000x32xf32>
    %get3A_10 = arith.constant 0 : index
    %get3A_11 = arith.constant 0 : index
    %get3A_12 = vector.load %arg1[%get3A_10, %get3A_11] : memref<10000x32xf32, #tpu.memory_space<vmem>>, vector<10000x32xf32>
    %add3A_13 = arith.addf %add3A, %get3A_12 : vector<10000x32xf32>
    %get3A_14 = arith.constant 0 : index
    %get3A_15 = arith.constant 0 : index
    %get3A_16 = vector.load %arg2[%get3A_14, %get3A_15] : memref<10000x1xf32, #tpu.memory_space<vmem>>, vector<10000x1xf32>
    %mul3A = vector.broadcast %get3A_16 : vector<10000x1xf32> to vector<10000x32xf32>
    %mul3A_17 = arith.mulf %add3A_13, %mul3A : vector<10000x32xf32>
    %get3A_18 = arith.constant 0 : index
    %get3A_19 = arith.constant 0 : index
    %get3A_20 = vector.load %arg3[%get3A_18, %get3A_19] : memref<1x32xf32, #tpu.memory_space<vmem>>, vector<1x32xf32>
    %add3A_21 = vector.broadcast %get3A_20 : vector<1x32xf32> to vector<10000x32xf32>
    %add3A_22 = arith.addf %mul3A_17, %add3A_21 : vector<10000x32xf32>
    %slice3A = vector.extract_strided_slice %add3A_22 {offsets = [0, 0], sizes = [10000, 20], strides = [1, 1]} : vector<10000x32xf32> to vector<10000x20xf32>
    %swap3A = arith.constant 0 : index
    %swap3A_23 = arith.constant 0 : index
    %swap3A_24 = vector.load %arg4[%swap3A, %swap3A_23] : memref<10000x20xf32, #tpu.memory_space<vmem>>, vector<10000x20xf32>
    tpu.vector_store %arg4[%swap3A, %swap3A_23], %slice3A {strides = array<i32>} : memref<10000x20xf32, #tpu.memory_space<vmem>>, vector<10000x20xf32>,
    return
  }
}

</mosaic_0001>

<sc_bundles>
// kernel: kernel.12.cloned.1.call-start
scs
__scs_entry_jumppad:
0x0: {  	(pc) =	sbr.rel $0x88, $3  }
0x1: {  	(tag) =	ssettag $0x0;
	lr =	simm.s32 $0x1  }
0x2: {  	[smem:$0x3F9B] =	sst lr;
	_ =	strace $0xD0000000  }
0x3: {  	_ = 	snop  }
0x4: {  	_ = 	snop  }
0x5: {  	_ = 	snop  }
0x6: {  	_ = 	snop  }
0x7: {  	_ = 	snop  }
__scs_overlays_trampoline_lowered:
0x8: {  	[smem:$0x3FAA] =	sst s0  }
0x9: {  	[smem:$0x3FAB] =	sst s1  }
0xa: {  	[smem:$0x3FAC] =	sst s2  }
0xb: {  	[smem:$0x3FAD] =	sst s3  }
0xc: {  	[smem:$0x3FAE] =	sst s4  }
0xd: {  	[smem:$0x3FAF] =	sst s5  }
0xe: {  	[smem:$0x3FB0] =	sst s6  }
0xf: {  	[smem:$0x3FB1] =	sst s7  }
0x10: {  	[smem:$0x3FB2] =	sst s8  }
0x11: {  	[smem:$0x3FB3] =	sst s9;
	s0 =	simm.s32 @!p0 $0x0  }
0x12: {  	s1 =	sld [smem:$0x3F99];
	s0 =	simm.s32 @p0 $0x1  }
0x13: {  	[smem:$0x3FB4] =	sst s0;
	s0 =	simm.s32 @!p1 $0x0  }
0x14: {  	s2 =	sld [smem:$0x3F98];
	s0 =	simm.s32 @p1 $0x1  }
0x15: {  	[smem:$0x3FB5] =	sst s0;
	s0 =	simm.s32 @!p2 $0x0  }
0x16: {  	s3 =	sld [smem:$0x3FDB];
	s0 =	simm.s32 @p2 $0x1  }
0x17: {  	s4 =	simm.s32 $0x1BF5;
	[smem:$0x3FB7] =	sst s0  }
0x18: {  	s0 =	sld [smem:$0x3F9A];
	_ =	swait.ge [sflag:s4], $0x0  }
0x19: {  	s7 =	sld [smem:$0x3F9B]  }
0x1a: {  	s8 =	sadd.s32 $0xFFFFE003, lr  }
0x1b: {  	s9 =	sadd.s32 $0xFFFFFEF7, lr;
	s5 =	simm.s32 $0xFFFFFFFF;
	p2 =	slt.u32 s8, $0xFFFFF086  }
0x1c: {  	p1 =	slt.u32 s9, $0xF7A;
	s5 =	simm.s32 @!p2 $0x0  }
0x1d: {  	s5 =	simm.s32 @p1 $0x1;
	p0 =	seq.s32 s7, s2  }
0x1e: {  	s7 =	smul.u32 @!p0 $0xF7A, s2;
	p2 =	seq.s32 @!p0 s5, $0x0  }
0x1f: {  	s9 =	smul.u32 $0xF7A, s1;
	s8 =	simm.s32 @!p0 $0x1BF5;
	p2 =	por !p2, p0  }
0x20: {  	[sflag:s8] =	ssyncset.s32 @!p0 $0xFFFFF086;
	s6 =	sadd.s32 @!p0 s3, s7;
	s7 =	simm.s32 @!p0 $0x108  }
0x21: {  	s3 =	sadd.s32 s3, s9;
	s6 =	sadd.s32 @!p0 $0x88, s6;
	s7 =	simm.s32 @p2 $0x1082  }
0x22: {  	[simem:s7], [sflag:s8] =	dma.local @!p0 [hbm:s6], $0xF7A  }
0x23: {  	s9 =	sor.u32 $0xD0000000, s2;
	s6 =	simm.s32 $0x108;
	_ =	swait.ge @!p0 [sflag:s8], $0x0  }
0x24: {  	s3 =	sadd.s32 $0x88, s3;
	s6 =	simm.s32 @!p1 $0x1082;
	[sflag:s4] =	ssyncset.s32 $0xFFFFF086  }
0x25: {  	[simem:s6], [sflag:s4] =	dma.local [hbm:s3], $0xF7A  }
0x26: {  	[smem:$0x3F9B] =	sst s1;
	(tag) =	ssettag s2;
	_ =	strace s9  }
0x27: {  	s1 =	sld [smem:$0x3FAB]  }
0x28: {  	s2 =	sld [smem:$0x3FAC]  }
0x29: {  	s4 =	sld [smem:$0x3FAE]  }
0x2a: {  	p0 =	seq.s32 s5, $0x0;
	s5 =	sld [smem:$0x3FAF]  }
0x2b: {  	s6 =	sld [smem:$0x3FB0]  }
0x2c: {  	s7 =	sld [smem:$0x3FB1]  }
0x2d: {  	s3 =	simm.s32 $0x108;
	s8 =	sld [smem:$0x3FB2]  }
0x2e: {  	s3 =	simm.s32 @!p0 $0x1082;
	s9 =	sld [smem:$0x3FB3]  }
0x2f: {  	lr =	sadd.s32 s0, s3;
	s0 =	sld [smem:$0x3FAA]  }
0x30: {  	s3 =	sld [smem:$0x3FAD]  }
0x31: {  	[smem:$0x3FB6] =	sst s10  }
0x32: {  	s10 =	sld [smem:$0x3FB4];
	_ =	sdelay $0x3  }
0x33: {  	p0 =	seq.s32 s10, $0x1;
	s10 =	sld [smem:$0x3FB6];
	_ =	sdelay $0x3  }
0x34: {  	[smem:$0x3FB6] =	sst s10  }
0x35: {  	s10 =	sld [smem:$0x3FB5];
	_ =	sdelay $0x3  }
0x36: {  	p1 =	seq.s32 s10, $0x1;
	s10 =	sld [smem:$0x3FB6];
	_ =	sdelay $0x3  }
0x37: {  	[smem:$0x3FB6] =	sst s10  }
0x38: {  	s10 =	sld [smem:$0x3FB7]  }
0x39: {  	_ = 	snop;
	(pc) =	sbr.ind lr, $3  }
0x3a: {  	_ = 	snop  }
0x3b: {  	_ = 	snop  }
0x3c: {  	p2 =	seq.s32 s10, $0x1;
	s10 =	sld [smem:$0x3FB6]  }
0x3d: {  	_ =	shalt  }
0x3e: {  	_ =	shalt  }
0x3f: {  	_ =	shalt  }
0x40: {  	_ =	shalt  }
0x41: {  	_ =	shalt  }
0x42: {  	_ =	shalt  }
0x43: {  	_ =	shalt  }
0x44: {  	_ =	shalt  }
0x45: {  	_ =	shalt  }
0x46: {  	_ =	shalt  }
0x47: {  	_ =	shalt  }
0x48: {  	_ =	shalt  }
0x49: {  	_ =	shalt  }
0x4a: {  	_ =	shalt  }
0x4b: {  	_ =	shalt  }
0x4c: {  	_ =	shalt  }
0x4d: {  	_ =	shalt  }
0x4e: {  	_ =	shalt  }
0x4f: {  	_ =	shalt  }
0x50: {  	_ =	shalt  }
0x51: {  	_ =	shalt  }
0x52: {  	_ =	shalt  }
0x53: {  	_ =	shalt  }
0x54: {  	_ =	shalt  }
0x55: {  	_ =	shalt  }
0x56: {  	_ =	shalt  }
0x57: {  	_ =	shalt  }
0x58: {  	_ =	shalt  }
0x59: {  	_ =	shalt  }
0x5a: {  	_ =	shalt  }
0x5b: {  	_ =	shalt  }
0x5c: {  	_ =	shalt  }
0x5d: {  	_ =	shalt  }
0x5e: {  	_ =	shalt  }
0x5f: {  	_ =	shalt  }
0x60: {  	_ =	shalt  }
0x61: {  	_ =	shalt  }
0x62: {  	_ =	shalt  }
0x63: {  	_ =	shalt  }
0x64: {  	_ =	shalt  }
0x65: {  	_ =	shalt  }
0x66: {  	_ =	shalt  }
0x67: {  	_ =	shalt  }
0x68: {  	_ =	shalt  }
0x69: {  	_ =	shalt  }
0x6a: {  	_ =	shalt  }
0x6b: {  	_ =	shalt  }
0x6c: {  	_ =	shalt  }
0x6d: {  	_ =	shalt  }
0x6e: {  	_ =	shalt  }
0x6f: {  	_ =	shalt  }
0x70: {  	_ =	shalt  }
0x71: {  	_ =	shalt  }
0x72: {  	_ =	shalt  }
0x73: {  	_ =	shalt  }
0x74: {  	_ =	shalt  }
0x75: {  	_ =	shalt  }
0x76: {  	_ =	shalt  }
0x77: {  	_ =	shalt  }
0x78: {  	_ =	shalt  }
0x79: {  	_ =	shalt  }
0x7a: {  	_ =	shalt  }
0x7b: {  	_ =	shalt  }
0x7c: {  	_ =	shalt  }
0x7d: {  	_ =	shalt  }
0x7e: {  	_ =	shalt  }
0x7f: {  	_ =	shalt  }
0x80: {  	_ =	shalt  }
0x81: {  	_ =	shalt  }
0x82: {  	_ =	shalt  }
0x83: {  	_ =	shalt  }
0x84: {  	_ =	shalt  }
0x85: {  	_ =	shalt  }
0x86: {  	_ =	shalt  }
0x87: {  	_ =	shalt  }
.Lfunc_end0:
.L_simem_size_0:
called_computation.1_lowered:
.L_overlay_start_0:
0x88: {  	s2 =	sld [smem:$0x3FD9]  }
0x89: {  	s3 =	sld [smem:$0x3FFE];
	_ =	sdelay $0x1  }
0x8a: {  	s1 =	srdreg.scid  }
0x8b: {  	s0 =	sand.u32 $0x1, s1  }
0x8c: {  	s16 =	sshll.u32 s0, $0xA;
	s2 =	sadd.s32 s3, s2  }
0x8d: {  	s2 =	sadd.s32 s2, s16  }
0x8e: {  	[smem:$0x3FC2] =	sst s2  }
0x8f: {  	_ = 	snop  }
0x90: {  	(tm) =	ssettm $0x1  }
0x91: {  	s17 =	sld [smem:$0x3FFB];
	_ =	sdelay $0x3  }
0x92: {  	_ =	strace s17  }
0x93: {  	s2 =	sld [smem:$0x3FFC];
	_ =	sdelay $0x3  }
0x94: {  	_ =	strace s2  }
0x95: {  	s2 =	sld [smem:$0x3FFD];
	_ =	sdelay $0x3  }
0x96: {  	_ =	strace s2  }
0x97: {  	_ =	strace $0x8FFFFFFF  }
0x98: {  	s18 =	sld [smem:$0x3FDB];
	_ =	sdelay $0x1  }
0x99: {  	s19 =	simm.s32 $_scs_section_size  }
0x9a: {  	s4 =	simm.s32 $_size__tile_overlayer_lowered;
	s5 =	simm.s32 $_tile_overlayer_lowered  }
0x9b: {  	s22 =	simm.s32 $0x1BFF;
	s21 =	sshll.u32 s5, $0x1;
	s2 =	sadd.s32 s19, s18  }
0x9c: {  	s6 =	simm.s32 $0x0;
	s20 =	sshll.u32 s4, $0x1;
	s4 =	sadd.s32 s21, s2  }
0x9d: {  	[timem:s6], [sflag:s22] =	dma.local [hbm:s4], s20  }
0x9e: {  	_ =	swait.ge [sflag:s22], s20  }
0x9f: {  	s3 =	ssub.s32 $0x0, s20;
	[sflag:s22] =	ssyncset.done $0x0  }
0xa0: {  	[sflag:s22] =	ssyncadd.s32 s3;
	_ =	sdelay $0x1  }
0xa1: {  	s23 =	simm.s32 $0x1B8B  }
0xa2: {  	_ =	swait.ge [sflag:s23], $0x1  }
0xa3: {  	[sflag:s23] =	ssyncset.done $0x0  }
0xa4: {  	s25 =	simm.s32 $0x1B8E;
	s24 =	sld [smem:$0x3FFE];
	[sflag:s23] =	ssyncadd.s32 $0xFFFFFFFF  }
0xa5: {  	s26 =	simm.s32 $execute0_lowered;
	[smem:$0x3FD2] =	sst s25  }
0xa6: {  	s4 =	sshll.u32 s26, $0x1;
	_ =	strace $0x80000049;
	[dreg:$0x1] =	wrdreg $0xFFFFFFFF  }
0xa7: {  	s28 =	simm.s32 $_size_execute0_lowered;
	s2 =	sadd.s32 s2, s4;
	[dreg:$0x0] =	wrdreg $0x0  }
0xa8: {  	s4 =	sshll.u32 s28, $0x1;
	[dreg:$0x2] =	wrdreg s2  }
0xa9: {  	[dreg:$0x3] =	wrdreg s4  }
0xaa: {  	[dreg:$0x4] =	wrdreg $0xC0  }
0xab: {  	_ =	task [dreg:s6], $0x5FFFF  }
0xac: {  	[dreg:$0x1] =	wrdreg $0xFFFFFFFF  }
0xad: {  	[dreg:$0x0] =	wrdreg $0x60  }
0xae: {  	[dreg:$0x2] =	wrdreg s24  }
0xaf: {  	[dreg:$0x3] =	wrdreg $0xE8000  }
0xb0: {  	[dreg:$0x4] =	wrdreg $0x9  }
0xb1: {  	_ =	task.clear_ibuf [dreg:s6], $0x5FFFF;
	_ =	strace $0x90000049  }
0xb2: {  	s29 =	simm.s32 $0x9;
	_ =	strace $0x8000004B  }
0xb3: {  	_ =	swait.ge [sflag:s29], $0x1  }
0xb4: {  	[sflag:s29] =	ssyncadd.s32 $0xFFFFFFFF  }
0xb5: {  	_ =	strace $0x9000004B  }
0xb6: {  	_ =	sfence  }
0xb7: {  	s30 =	sld [smem:$0x0];
	_ =	sdelay $0x2  }
0xb8: {  	s31 =	sshll.u32 s1, $0xD;
	s1 =	sshrl.u32 s1, $0x2  }
0xb9: {  	s3 =	sand.u32 $0x4000, s31;
	s1 =	sadd.s32 s1, s30  }
0xba: {  	s0 =	sor.u32 s3, s0;
	s1 =	sshll.u32 s1, $0x11  }
0xbb: {  	s0 =	sor.u32 s1, s0  }
0xbc: {  	s0 =	sadd.s32 $0x8F2B, s0  }
0xbd: {  	[sflag:s0] =	ssyncadd.remote.s32 $0x1  }
0xbe: {  	_ =	sfence.sel $0xFFFF  }
0xbf: {  	[dreg:$0x0] =	wrdreg $0xFFFFFFFF;
	(pc) =	sbr.abs _section_cstart, $3  }
0xc0: {  	[dreg:$0x1] =	wrdreg $0xFFFFFFFF  }
0xc1: {  	_ =	task.clear_ibuf [dreg:s6], $0x2FFFF;
	_ =	strace $0x9FFFFFFF  }
0xc2: {  	(tm) =	ssettm $0x7FFFFFFF  }
0xc3: {  	_ =	shalt  }
tec
execute0_lowered:
.L_overlay_start_1:
0x0: {  	(tag) =	ssettag $0x1  }
0x1: {  	s6 =	rddreg [dreg:$0x0]  }
0x2: {  	s2 =	rddreg [dreg:$0x1]  }
0x3: {  	s0 =	stileid.u32;
	s3 =	simm.s32 $0x0;
	s5 =	srdreg.scid  }
0x4: {  	s15 =	simm.s32 $0x200;
	s16 =	simm.s32 $0x6800;
	s17 =	simm.s32 $0xA800  }
0x5: {  	s18 =	simm.s32 $0x1;
	s19 =	simm.s32 $0x3;
	s4 =	smul.u32 $0x38, s0  }
0x6: {  	s20 =	simm.s32 $0x2;
	s7 =	sand.u32 $0x1, s5;
	s5 =	smul.u32 $0x1A, s0  }
0x7: {  	s21 =	simm.s32 $0x0;
	[smem:$0x7FF] =	sst s3;
	s8 =	smul.u32 $0xA000, s0  }
0x8: {  	s13 =	sshll.u32 s0, $0x6;
	p0 =	seq.s32 s7, $0x0;
	s30 =	smul.u32 $0xA0000, s7  }
0x9: {  	_ =	strace $0x8000004A;
	s7 =	ssub.s32 $0x2, s7;
	s13 =	sor.u32 $0x1C03, s13  }
0xa: {  	s4 =	sshrl.u32 s4, $0x2;
	s11 =	sshrl.u32 s7, $0x1;
	s12 =	sshrl.u32 s8, $0x1  }
0xb: {  	s4 =	sadd.s32 $0x1A0, s4;
	s10 =	sadd.s32 s8, s30;
	s11 =	ssub.s32 s7, s11  }
0xc: {  	s14 =	sadd.s32 s12, s2;
	s4 =	smov.u32 @p0 s5;
	s5 =	sadd.s32 $0xC000, s6  }
0xd: {  	s10 =	sshrl.u32 s10, $0x4;
	s9 =	sshll.u32 s4, $0x6;
	s4 =	sadd.s32 $0x1A00, s6  }
0xe: {  	s10 =	sadd.s32 s10, s6;
	s9 =	sadd.s32 s9, s6;
	s6 =	simm.s32 $0x1A  }
0xf: {  	s12 =	simm.s32 $0x3400;
	s14 =	sshrl.u32 s14, $0x3;
	s6 =	simm.s32 @!p0 $0xE  }
0x10: {  	s7 =	sadd.s32 $0xCA00, s9;
	s8 =	sadd.s32 $0x16E00, s9;
	s31 =	sshrl.u32 s6, $0x1  }
0x11: {  	s9 =	sadd.s32 $0x21200, s10;
	s10 =	smax.u32 s11, $0x1;
	s11 =	sadd.s32 $0xFFFFFFFF, s31  }
.LBB2_1:
0x12: {  	[tilespmem:s3], [sflag:$0x3] =	stream.linear.gather [hbm4b:s7+s3], $0x3400, $0x38;
	[tilespmem:$0x13800] =	vst v63  }
0x13: {  	_ =	swait.ge [sflag:s19], $0x3400  }
0x14: {  	[sflag:s19] =	ssyncset.done $0x0  }
0x15: {  	[sflag:s19] =	ssyncadd.s32 $0xFFFFCC00  }
0x16: {  	[tilespmem:s12], [sflag:$0x3] =	stream.linear.gather [hbm4b:s8+s3], $0x3400, $0x38;
	[tilespmem:$0x13800] =	vst v63  }
0x17: {  	_ =	swait.ge [sflag:s19], $0x3400  }
0x18: {  	[sflag:s19] =	ssyncset.done $0x0  }
0x19: {  	[sflag:s19] =	ssyncadd.s32 $0xFFFFCC00  }
0x1a: {  	[spmem:s14], [sflag:s13] =	dma.local [hbm:s5], $0xA00  }
0x1b: {  	_ =	swait.ge [sflag:s19], $0xA00  }
0x1c: {  	[sflag:s19] =	ssyncset.done $0x0  }
0x1d: {  	[sflag:s19] =	ssyncadd.s32 $0xFFFFF600  }
0x1e: {  	[bflag:$0x0] =	sbarrier.arrive $0xFFFF  }
0x1f: {  	[tilespmem:s16], [sflag:$0x1] =	stream.indirect.gather [hbm4b:s4+s15], $0x20, s3, s15, $0xb8;
	[tilespmem:$0x13800] =	vst v63  }
0x20: {  	_ = 	snop  }
0x21: {  	[tilespmem:s17], [sflag:$0x2] =	stream.indirect.gather [hbm4b:s4+s15], $0x20, s15, s15, $0xb8;
	[tilespmem:$0x13800] =	vst v63  }
0x22: {  	_ =	swait.ge [sflag:s18], $0x4000  }
0x23: {  	[sflag:s18] =	ssyncset.done $0x0  }
0x24: {  	s22 =	simm.s32 $0x3400;
	[sflag:s18] =	ssyncadd.s32 $0xFFFFC000  }
0x25: {  	[spmem:s2] =	stream.indirect.scatter.add.bf16 [tilespmem:s16], [sflag:$0x3], $0x20, s22, s15, $0xb8;
	[tilespmem:$0x13800] =	vst v63  }
0x26: {  	p0 =	sle.u32 s6, $0x2;
	s26 =	sadd.s32 $0xFFFFFFFF, s11;
	_ =	swait.ge [sflag:s19], $0x4000  }
0x27: {  	s25 =	simm.s32 $0x3600;
	s23 =	simm.s32 @!p0 $0x200;
	[sflag:s19] =	ssyncset.done $0x0  }
0x28: {  	s24 =	simm.s32 @!p0 $0x6800;
	s22 =	simm.s32 @!p0 $0x400;
	[sflag:s19] =	ssyncadd.s32 $0xFFFFC000  }
0x29: {  	[tilespmem:s24], [sflag:$0x1] =	stream.indirect.gather @!p0 [hbm4b:s4+s23], $0x20, s22, s23, $0xb8;
	[tilespmem:$0x13800] =	vst v63  }
0x2a: {  	p1 =	sle.u32 s6, $0x3;
	p0 =	sne.s32 s26, $0x0;
	_ =	swait.ge [sflag:s20], $0x4000  }
.Ltmp0:
0x2b: {  	s29 =	simm.s32 $0x600;
	[sflag:s20] =	ssyncset.done $0x0;
	(pc) =	sbr.rel @!p0 .LBB2_3-.Ltmp0, $4  }
0x2c: {  	s28 =	simm.s32 $0x600;
	s30 =	simm.s32 @!p1 $0x200;
	[sflag:s20] =	ssyncadd.s32 $0xFFFFC000  }
0x2d: {  	[spmem:s2] =	stream.indirect.scatter.add.bf16 [tilespmem:s17], [sflag:$0x3], $0x20, s25, s15, $0xb8;
	[tilespmem:$0x13800] =	vst v63  }
0x2e: {  	s31 =	simm.s32 @!p1 $0xA800;
	s22 =	simm.s32 $0x600;
	_ =	swait.ge [sflag:s19], $0x4000  }
0x2f: {  	s24 =	simm.s32 $0x3A00;
	s23 =	simm.s32 $0x5;
	[sflag:s19] =	ssyncset.done $0x0  }
.LBB2_2:
0x30: {  	s28 =	smov.u32 s22;
	s25 =	smov.u32 s24  }
0x31: {  	s26 =	sadd.s32 $0xFFFFFFFF, s26;
	s22 =	sadd.s32 $0x400, s22;
	[sflag:s19] =	ssyncadd.s32 $0xFFFFC000  }
0x32: {  	[tilespmem:s31], [sflag:$0x2] =	stream.indirect.gather @!p1 [hbm4b:s4+s30], $0x20, s29, s30, $0xb8;
	[tilespmem:$0x13800] =	vst v63  }
0x33: {  	p0 =	sne.s32 s26, $0x0;
	s29 =	smov.u32 s22;
	_ =	swait.ge [sflag:s18], $0x4000  }
0x34: {  	s30 =	sadd.s32 $0xFFFFFE00, s24;
	s31 =	smov.u32 s24;
	[sflag:s18] =	ssyncset.done $0x0  }
0x35: {  	s0 =	sadd.s32 $0xFFFFFFFF, s23;
	[sflag:s18] =	ssyncadd.s32 $0xFFFFC000  }
0x36: {  	[spmem:s2] =	stream.indirect.scatter.add.bf16 [tilespmem:s16], [sflag:$0x3], $0x20, s30, s15, $0xb8;
	[tilespmem:$0x13800] =	vst v63  }
0x37: {  	p1 =	sge.u32 s0, s6;
	_ =	swait.ge [sflag:s19], $0x4000  }
0x38: {  	s0 =	sadd.s32 @!p1 $0xFFFFFE00, s22;
	s30 =	simm.s32 @!p1 $0x200;
	[sflag:s19] =	ssyncset.done $0x0  }
0x39: {  	s1 =	simm.s32 @!p1 $0x6800;
	[sflag:s19] =	ssyncadd.s32 $0xFFFFC000  }
0x3a: {  	[tilespmem:s1], [sflag:$0x1] =	stream.indirect.gather @!p1 [hbm4b:s4+s30], $0x20, s0, s30, $0xb8;
	[tilespmem:$0x13800] =	vst v63  }
0x3b: {  	_ =	swait.ge [sflag:s20], $0x4000  }
.Ltmp1:
0x3c: {  	[sflag:s20] =	ssyncset.done $0x0;
	(pc) =	sbr.rel @p0 .LBB2_2-.Ltmp1, $4  }
0x3d: {  	s24 =	sadd.s32 $0x400, s24;
	[sflag:s20] =	ssyncadd.s32 $0xFFFFC000  }
0x3e: {  	[spmem:s2] =	stream.indirect.scatter.add.bf16 [tilespmem:s17], [sflag:$0x3], $0x20, s31, s15, $0xb8;
	[tilespmem:$0x13800] =	vst v63  }
0x3f: {  	p1 =	sge.u32 s23, s6;
	s23 =	sadd.s32 $0x2, s23;
	_ =	swait.ge [sflag:s19], $0x4000  }
0x40: {  	s30 =	simm.s32 @!p1 $0x200;
	s31 =	simm.s32 @!p1 $0xA800;
	[sflag:s19] =	ssyncset.done $0x0  }
.LBB2_3:
0x41: {  	[sflag:s19] =	ssyncadd.s32 $0xFFFFC000  }
0x42: {  	[tilespmem:s31], [sflag:$0x2] =	stream.indirect.gather @!p1 [hbm4b:s4+s30], $0x20, s29, s30, $0xb8;
	[tilespmem:$0x13800] =	vst v63  }
0x43: {  	_ =	swait.ge [sflag:s18], $0x4000  }
0x44: {  	[sflag:s18] =	ssyncset.done $0x0  }
0x45: {  	s0 =	sadd.s32 $0x200, s25;
	s31 =	sadd.s32 $0xFFFFFFFF, s23;
	[sflag:s18] =	ssyncadd.s32 $0xFFFFC000  }
0x46: {  	[spmem:s2] =	stream.indirect.scatter.add.bf16 [tilespmem:s16], [sflag:$0x3], $0x20, s0, s15, $0xb8;
	[tilespmem:$0x13800] =	vst v63  }
0x47: {  	p0 =	sge.u32 s31, s6;
	_ =	swait.ge [sflag:s19], $0x4000  }
0x48: {  	s1 =	simm.s32 @!p0 $0x200;
	[sflag:s19] =	ssyncset.done $0x0  }
0x49: {  	s25 =	simm.s32 @!p0 $0x6800;
	s0 =	sadd.s32 @!p0 $0x200, s28;
	[sflag:s19] =	ssyncadd.s32 $0xFFFFC000  }
0x4a: {  	[tilespmem:s25], [sflag:$0x1] =	stream.indirect.gather @!p0 [hbm4b:s4+s1], $0x20, s0, s1, $0xb8;
	[tilespmem:$0x13800] =	vst v63  }
0x4b: {  	_ =	swait.ge [sflag:s20], $0x4000  }
0x4c: {  	[sflag:s20] =	ssyncset.done $0x0  }
0x4d: {  	[sflag:s20] =	ssyncadd.s32 $0xFFFFC000  }
0x4e: {  	[spmem:s2] =	stream.indirect.scatter.add.bf16 [tilespmem:s17], [sflag:$0x3], $0x20, s24, s15, $0xb8;
	[tilespmem:$0x13800] =	vst v63  }
0x4f: {  	s21 =	sadd.s32 $0x1, s21;
	_ =	swait.ge [sflag:s19], $0x4000  }
0x50: {  	s0 =	sadd.s32 $0x400, s22;
	p0 =	sge.u32 s23, s6;
	[sflag:s19] =	ssyncset.done $0x0  }
0x51: {  	s1 =	simm.s32 @!p0 $0x200;
	s22 =	simm.s32 @!p0 $0xA800;
	[sflag:s19] =	ssyncadd.s32 $0xFFFFC000  }
0x52: {  	[tilespmem:s22], [sflag:$0x2] =	stream.indirect.gather @!p0 [hbm4b:s4+s1], $0x20, s0, s1, $0xb8;
	[tilespmem:$0x13800] =	vst v63  }
0x53: {  	p0 =	sne.s32 s21, s10  }
.Ltmp2:
0x54: {  	[bflag:$0x0] =	sbarrier.arrive $0xFFFF;
	(pc) =	sbr.rel @p0 .LBB2_1-.Ltmp2, $4  }
0x55: {  	[hbm:s9], [sflag:s13] =	dma.local [spmem:s14], $0xA00  }
0x56: {  	_ =	swait.ge [sflag:s19], $0xA00  }
0x57: {  	[sflag:s19] =	ssyncset.done $0x0  }
0x58: {  	[sflag:s19] =	ssyncadd.s32 $0xFFFFF600  }
0x59: {  	_ =	sfence.sel $0x180000  }
0x5a: {  	[bflag:$0x0] =	sbarrier.arrive $0xFFFF  }
0x5b: {  	_ =	strace $0x9000004A  }
0x5c: {  	s0 =	stileid.u32;
	[bflag:$0x2] =	sbarrier.arrive $0xFFFF  }
0x5d: {  	p0 =	sne.s32 s0, $0x0;
	s0 =	rddreg [dreg:$0x2]  }
0x5e: {  	s0 =	sadd.s32 @!p0 $0x100000, s0  }
0x5f: {  	[sflag:s0] =	ssyncadd.tile.s32 @!p0 $0x1;
	_ =	shalt  }
.Lfunc_end2:
_tile_overlayer_lowered:
.L_overlay_start_2:
0x60: {  	(tag) =	ssettag $0x2  }
0x61: {  	s0 =	rddreg [dreg:$0x0];
	s2 =	stileid.u32  }
0x62: {  	s1 =	rddreg [dreg:$0x1];
	p0 =	sne.s32 s2, $0x0  }
0x63: {  	s3 =	rddreg [dreg:$0x2];
	[bflag:$0x3] =	sbarrier.arrive $0xFFFF;
	s2 =	simm.s32 @!p0 $0x1C03  }
0x64: {  	[timem:s3], [sflag:s2] =	dma.local @!p0 [hbm:s0], s1  }
0x65: {  	s0 =	simm.s32 @!p0 $0x3  }
0x66: {  	_ =	swait.ge @!p0 [sflag:s0], s1  }
0x67: {  	s1 =	ssub.s32 @!p0 $0x0, s1;
	[sflag:s0] =	ssyncset.done @!p0 $0x0  }
0x68: {  	[sflag:s0] =	ssyncadd.s32 @!p0 s1  }
0x69: {  	[bflag:$0x3] =	sbarrier.arrive $0xFFFF  }
0x6a: {  	_ =	shalt  }

// kernel: kernel.15.cloned.1.call-start
scs
__scs_entry_jumppad:
0x0: {  	(pc) =	sbr.rel $0x88, $3  }
0x1: {  	(tag) =	ssettag $0x0;
	lr =	simm.s32 $0x1  }
0x2: {  	[smem:$0x3F9B] =	sst lr;
	_ =	strace $0xD0000000  }
0x3: {  	_ = 	snop  }
0x4: {  	_ = 	snop  }
0x5: {  	_ = 	snop  }
0x6: {  	_ = 	snop  }
0x7: {  	_ = 	snop  }
__scs_overlays_trampoline_lowered:
0x8: {  	[smem:$0x3FAA] =	sst s0  }
0x9: {  	[smem:$0x3FAB] =	sst s1  }
0xa: {  	[smem:$0x3FAC] =	sst s2  }
0xb: {  	[smem:$0x3FAD] =	sst s3  }
0xc: {  	[smem:$0x3FAE] =	sst s4  }
0xd: {  	[smem:$0x3FAF] =	sst s5  }
0xe: {  	[smem:$0x3FB0] =	sst s6  }
0xf: {  	[smem:$0x3FB1] =	sst s7  }
0x10: {  	[smem:$0x3FB2] =	sst s8  }
0x11: {  	[smem:$0x3FB3] =	sst s9;
	s0 =	simm.s32 @!p0 $0x0  }
0x12: {  	s1 =	sld [smem:$0x3F99];
	s0 =	simm.s32 @p0 $0x1  }
0x13: {  	[smem:$0x3FB4] =	sst s0;
	s0 =	simm.s32 @!p1 $0x0  }
0x14: {  	s2 =	sld [smem:$0x3F98];
	s0 =	simm.s32 @p1 $0x1  }
0x15: {  	[smem:$0x3FB5] =	sst s0;
	s0 =	simm.s32 @!p2 $0x0  }
0x16: {  	s3 =	sld [smem:$0x3FDB];
	s0 =	simm.s32 @p2 $0x1  }
0x17: {  	s4 =	simm.s32 $0x1BF5;
	[smem:$0x3FB7] =	sst s0  }
0x18: {  	s0 =	sld [smem:$0x3F9A];
	_ =	swait.ge [sflag:s4], $0x0  }
0x19: {  	s7 =	sld [smem:$0x3F9B]  }
0x1a: {  	s8 =	sadd.s32 $0xFFFFE003, lr  }
0x1b: {  	s9 =	sadd.s32 $0xFFFFFEF7, lr;
	s5 =	simm.s32 $0xFFFFFFFF;
	p2 =	slt.u32 s8, $0xFFFFF086  }
0x1c: {  	p1 =	slt.u32 s9, $0xF7A;
	s5 =	simm.s32 @!p2 $0x0  }
0x1d: {  	s5 =	simm.s32 @p1 $0x1;
	p0 =	seq.s32 s7, s2  }
0x1e: {  	s7 =	smul.u32 @!p0 $0xF7A, s2;
	p2 =	seq.s32 @!p0 s5, $0x0  }
0x1f: {  	s9 =	smul.u32 $0xF7A, s1;
	s8 =	simm.s32 @!p0 $0x1BF5;
	p2 =	por !p2, p0  }
0x20: {  	[sflag:s8] =	ssyncset.s32 @!p0 $0xFFFFF086;
	s6 =	sadd.s32 @!p0 s3, s7;
	s7 =	simm.s32 @!p0 $0x108  }
0x21: {  	s3 =	sadd.s32 s3, s9;
	s6 =	sadd.s32 @!p0 $0x88, s6;
	s7 =	simm.s32 @p2 $0x1082  }
0x22: {  	[simem:s7], [sflag:s8] =	dma.local @!p0 [hbm:s6], $0xF7A  }
0x23: {  	s9 =	sor.u32 $0xD0000000, s2;
	s6 =	simm.s32 $0x108;
	_ =	swait.ge @!p0 [sflag:s8], $0x0  }
0x24: {  	s3 =	sadd.s32 $0x88, s3;
	s6 =	simm.s32 @!p1 $0x1082;
	[sflag:s4] =	ssyncset.s32 $0xFFFFF086  }
0x25: {  	[simem:s6], [sflag:s4] =	dma.local [hbm:s3], $0xF7A  }
0x26: {  	[smem:$0x3F9B] =	sst s1;
	(tag) =	ssettag s2;
	_ =	strace s9  }
0x27: {  	s1 =	sld [smem:$0x3FAB]  }
0x28: {  	s2 =	sld [smem:$0x3FAC]  }
0x29: {  	s4 =	sld [smem:$0x3FAE]  }
0x2a: {  	p0 =	seq.s32 s5, $0x0;
	s5 =	sld [smem:$0x3FAF]  }
0x2b: {  	s6 =	sld [smem:$0x3FB0]  }
0x2c: {  	s7 =	sld [smem:$0x3FB1]  }
0x2d: {  	s3 =	simm.s32 $0x108;
	s8 =	sld [smem:$0x3FB2]  }
0x2e: {  	s3 =	simm.s32 @!p0 $0x1082;
	s9 =	sld [smem:$0x3FB3]  }
0x2f: {  	lr =	sadd.s32 s0, s3;
	s0 =	sld [smem:$0x3FAA]  }
0x30: {  	s3 =	sld [smem:$0x3FAD]  }
0x31: {  	[smem:$0x3FB6] =	sst s10  }
0x32: {  	s10 =	sld [smem:$0x3FB4];
	_ =	sdelay $0x3  }
0x33: {  	p0 =	seq.s32 s10, $0x1;
	s10 =	sld [smem:$0x3FB6];
	_ =	sdelay $0x3  }
0x34: {  	[smem:$0x3FB6] =	sst s10  }
0x35: {  	s10 =	sld [smem:$0x3FB5];
	_ =	sdelay $0x3  }
0x36: {  	p1 =	seq.s32 s10, $0x1;
	s10 =	sld [smem:$0x3FB6];
	_ =	sdelay $0x3  }
0x37: {  	[smem:$0x3FB6] =	sst s10  }
0x38: {  	s10 =	sld [smem:$0x3FB7]  }
0x39: {  	_ = 	snop;
	(pc) =	sbr.ind lr, $3  }
0x3a: {  	_ = 	snop  }
0x3b: {  	_ = 	snop  }
0x3c: {  	p2 =	seq.s32 s10, $0x1;
	s10 =	sld [smem:$0x3FB6]  }
0x3d: {  	_ =	shalt  }
0x3e: {  	_ =	shalt  }
0x3f: {  	_ =	shalt  }
0x40: {  	_ =	shalt  }
0x41: {  	_ =	shalt  }
0x42: {  	_ =	shalt  }
0x43: {  	_ =	shalt  }
0x44: {  	_ =	shalt  }
0x45: {  	_ =	shalt  }
0x46: {  	_ =	shalt  }
0x47: {  	_ =	shalt  }
0x48: {  	_ =	shalt  }
0x49: {  	_ =	shalt  }
0x4a: {  	_ =	shalt  }
0x4b: {  	_ =	shalt  }
0x4c: {  	_ =	shalt  }
0x4d: {  	_ =	shalt  }
0x4e: {  	_ =	shalt  }
0x4f: {  	_ =	shalt  }
0x50: {  	_ =	shalt  }
0x51: {  	_ =	shalt  }
0x52: {  	_ =	shalt  }
0x53: {  	_ =	shalt  }
0x54: {  	_ =	shalt  }
0x55: {  	_ =	shalt  }
0x56: {  	_ =	shalt  }
0x57: {  	_ =	shalt  }
0x58: {  	_ =	shalt  }
0x59: {  	_ =	shalt  }
0x5a: {  	_ =	shalt  }
0x5b: {  	_ =	shalt  }
0x5c: {  	_ =	shalt  }
0x5d: {  	_ =	shalt  }
0x5e: {  	_ =	shalt  }
0x5f: {  	_ =	shalt  }
0x60: {  	_ =	shalt  }
0x61: {  	_ =	shalt  }
0x62: {  	_ =	shalt  }
0x63: {  	_ =	shalt  }
0x64: {  	_ =	shalt  }
0x65: {  	_ =	shalt  }
0x66: {  	_ =	shalt  }
0x67: {  	_ =	shalt  }
0x68: {  	_ =	shalt  }
0x69: {  	_ =	shalt  }
0x6a: {  	_ =	shalt  }
0x6b: {  	_ =	shalt  }
0x6c: {  	_ =	shalt  }
0x6d: {  	_ =	shalt  }
0x6e: {  	_ =	shalt  }
0x6f: {  	_ =	shalt  }
0x70: {  	_ =	shalt  }
0x71: {  	_ =	shalt  }
0x72: {  	_ =	shalt  }
0x73: {  	_ =	shalt  }
0x74: {  	_ =	shalt  }
0x75: {  	_ =	shalt  }
0x76: {  	_ =	shalt  }
0x77: {  	_ =	shalt  }
0x78: {  	_ =	shalt  }
0x79: {  	_ =	shalt  }
0x7a: {  	_ =	shalt  }
0x7b: {  	_ =	shalt  }
0x7c: {  	_ =	shalt  }
0x7d: {  	_ =	shalt  }
0x7e: {  	_ =	shalt  }
0x7f: {  	_ =	shalt  }
0x80: {  	_ =	shalt  }
0x81: {  	_ =	shalt  }
0x82: {  	_ =	shalt  }
0x83: {  	_ =	shalt  }
0x84: {  	_ =	shalt  }
0x85: {  	_ =	shalt  }
0x86: {  	_ =	shalt  }
0x87: {  	_ =	shalt  }
.Lfunc_end0:
.L_simem_size_0:
called_computation.2_lowered:
.L_overlay_start_0:
0x88: {  	s2 =	sld [smem:$0x3FD9]  }
0x89: {  	s3 =	sld [smem:$0x3FFE];
	_ =	sdelay $0x1  }
0x8a: {  	s1 =	srdreg.scid  }
0x8b: {  	s0 =	sand.u32 $0x1, s1  }
0x8c: {  	s17 =	sshll.u32 s0, $0xA;
	s2 =	sadd.s32 s3, s2  }
0x8d: {  	s2 =	sadd.s32 s2, s17  }
0x8e: {  	[smem:$0x3FC2] =	sst s2  }
0x8f: {  	_ = 	snop  }
0x90: {  	s2 =	sld [smem:$0x3FD0];
	(tm) =	ssettm $0x1  }
0x91: {  	s18 =	sld [smem:$0x3FFB];
	_ =	sdelay $0x3  }
0x92: {  	_ =	strace s18  }
0x93: {  	s3 =	sld [smem:$0x3FFC];
	_ =	sdelay $0x3  }
0x94: {  	_ =	strace s3  }
0x95: {  	s3 =	sld [smem:$0x3FFD];
	_ =	sdelay $0x3  }
0x96: {  	_ =	strace s3  }
0x97: {  	_ =	strace $0x8FFFFFFF  }
0x98: {  	s19 =	sld [smem:$0x3FDB];
	_ =	sdelay $0x1  }
0x99: {  	s4 =	simm.s32 $_scs_section_size  }
0x9a: {  	s5 =	simm.s32 $_size__tile_overlayer_lowered;
	s6 =	simm.s32 $_tile_overlayer_lowered  }
0x9b: {  	s22 =	simm.s32 $0x1BFF;
	s21 =	sshll.u32 s6, $0x1;
	s3 =	sadd.s32 s4, s19  }
0x9c: {  	s7 =	simm.s32 $0x0;
	s20 =	sshll.u32 s5, $0x1;
	s5 =	sadd.s32 s21, s3  }
0x9d: {  	[timem:s7], [sflag:s22] =	dma.local [hbm:s5], s20  }
0x9e: {  	_ =	swait.ge [sflag:s22], s20  }
0x9f: {  	s4 =	ssub.s32 $0x0, s20;
	[sflag:s22] =	ssyncset.done $0x0  }
0xa0: {  	[sflag:s22] =	ssyncadd.s32 s4;
	_ =	sdelay $0x1  }
0xa1: {  	s23 =	simm.s32 $0x1B8B  }
0xa2: {  	_ =	swait.ge [sflag:s23], $0x1  }
0xa3: {  	[sflag:s23] =	ssyncset.done $0x0  }
0xa4: {  	s25 =	simm.s32 $0x1B8E;
	s24 =	sld [smem:$0x3FFE];
	[sflag:s23] =	ssyncadd.s32 $0xFFFFFFFF  }
0xa5: {  	s26 =	simm.s32 $execute0_lowered;
	[smem:$0x3FD2] =	sst s25  }
0xa6: {  	s5 =	sshll.u32 s26, $0x1;
	_ =	strace $0x8000004C;
	[dreg:$0x1] =	wrdreg $0xFFFFFFFF  }
0xa7: {  	s28 =	simm.s32 $_size_execute0_lowered;
	s3 =	sadd.s32 s3, s5;
	[dreg:$0x0] =	wrdreg $0x0  }
0xa8: {  	s5 =	sshll.u32 s28, $0x1;
	[dreg:$0x2] =	wrdreg s3  }
0xa9: {  	[dreg:$0x3] =	wrdreg s5  }
0xaa: {  	[dreg:$0x4] =	wrdreg $0xC0  }
0xab: {  	_ =	task [dreg:s7], $0x5FFFF  }
0xac: {  	[dreg:$0x1] =	wrdreg $0xFFFFFFFF  }
0xad: {  	[dreg:$0x0] =	wrdreg $0x60  }
0xae: {  	[dreg:$0x2] =	wrdreg s2  }
0xaf: {  	[dreg:$0x3] =	wrdreg s24  }
0xb0: {  	[dreg:$0x4] =	wrdreg $0xA8000  }
0xb1: {  	[dreg:$0x5] =	wrdreg $0x9  }
0xb2: {  	_ =	task.clear_ibuf [dreg:s7], $0x6FFFF;
	_ =	strace $0x9000004C  }
0xb3: {  	s29 =	simm.s32 $0x9;
	_ =	strace $0x8000004E  }
0xb4: {  	_ =	swait.ge [sflag:s29], $0x1  }
0xb5: {  	[sflag:s29] =	ssyncadd.s32 $0xFFFFFFFF  }
0xb6: {  	_ =	strace $0x9000004E  }
0xb7: {  	_ =	sfence  }
0xb8: {  	s30 =	sld [smem:$0x0];
	_ =	sdelay $0x2  }
0xb9: {  	s31 =	sshll.u32 s1, $0xD;
	s1 =	sshrl.u32 s1, $0x2  }
0xba: {  	s3 =	sand.u32 $0x4000, s31;
	s1 =	sadd.s32 s1, s30  }
0xbb: {  	s0 =	sor.u32 s3, s0;
	s1 =	sshll.u32 s1, $0x11  }
0xbc: {  	s0 =	sor.u32 s1, s0  }
0xbd: {  	s0 =	sadd.s32 $0x8F2B, s0  }
0xbe: {  	[sflag:s0] =	ssyncadd.remote.s32 $0x1  }
0xbf: {  	_ =	sfence.sel $0xFFFF  }
0xc0: {  	[dreg:$0x0] =	wrdreg $0xFFFFFFFF;
	(pc) =	sbr.abs _section_cstart, $3  }
0xc1: {  	[dreg:$0x1] =	wrdreg $0xFFFFFFFF  }
0xc2: {  	_ =	task.clear_ibuf [dreg:s7], $0x2FFFF;
	_ =	strace $0x9FFFFFFF  }
0xc3: {  	(tm) =	ssettm $0x7FFFFFFF  }
tec
execute0_lowered:
.L_overlay_start_1:
0x0: {  	(tag) =	ssettag $0x1  }
0x1: {  	s2 =	rddreg [dreg:$0x0]  }
0x2: {  	s6 =	rddreg [dreg:$0x1];
	s0 =	stileid.u32  }
0x3: {  	s3 =	rddreg [dreg:$0x2];
	s5 =	srdreg.scid  }
0x4: {  	s15 =	simm.s32 $0x200;
	s16 =	simm.s32 $0x6800;
	s17 =	simm.s32 $0x8800  }
0x5: {  	s18 =	simm.s32 $0x1;
	s19 =	simm.s32 $0x3;
	s4 =	smul.u32 $0x38, s0  }
0x6: {  	s20 =	simm.s32 $0x2;
	s7 =	sand.u32 $0x1, s5;
	s5 =	smul.u32 $0x1A, s0  }
0x7: {  	s21 =	simm.s32 $0x0;
	s9 =	smul.u32 $0x5000, s0;
	s13 =	sshll.u32 s0, $0x6  }
0x8: {  	p0 =	seq.s32 s7, $0x0;
	s31 =	smul.u32 $0x50000, s7;
	s7 =	ssub.s32 $0x2, s7  }
0x9: {  	s13 =	sor.u32 $0x1C03, s13;
	s4 =	sshrl.u32 s4, $0x2;
	s11 =	sshrl.u32 s7, $0x1  }
0xa: {  	s8 =	sadd.s32 $0x1A0, s4;
	s4 =	simm.s32 $0x0;
	s10 =	sadd.s32 s9, s31  }
0xb: {  	s11 =	ssub.s32 s7, s11;
	s9 =	sshrl.u32 s9, $0x1;
	s8 =	smov.u32 @p0 s5  }
0xc: {  	[smem:$0x7FF] =	sst s4;
	s5 =	sadd.s32 $0xB800, s6;
	s10 =	sshrl.u32 s10, $0x4  }
0xd: {  	s14 =	sadd.s32 s9, s3;
	s8 =	sshll.u32 s8, $0x6;
	_ =	strace $0x8000004D  }
0xe: {  	s10 =	sadd.s32 s10, s6;
	s8 =	sadd.s32 s8, s6;
	s6 =	simm.s32 $0x1A  }
0xf: {  	s14 =	sshrl.u32 s14, $0x3;
	s9 =	sadd.s32 $0x21200, s10;
	s6 =	simm.s32 @!p0 $0xE  }
0x10: {  	s10 =	smax.u32 s11, $0x1;
	s7 =	sadd.s32 $0xCA00, s8;
	s12 =	sshrl.u32 s6, $0x1  }
0x11: {  	s8 =	sadd.s32 $0x16E00, s8;
	s11 =	sadd.s32 $0xFFFFFFFF, s12;
	s12 =	simm.s32 $0x3400  }
.LBB2_1:
0x12: {  	[tilespmem:s4], [sflag:$0x3] =	stream.linear.gather [hbm4b:s7+s4], $0x3400, $0x38;
	[tilespmem:$0xD000] =	vst v63  }
0x13: {  	_ =	swait.ge [sflag:s19], $0x3400  }
0x14: {  	[sflag:s19] =	ssyncset.done $0x0  }
0x15: {  	[sflag:s19] =	ssyncadd.s32 $0xFFFFCC00  }
0x16: {  	[tilespmem:s12], [sflag:$0x3] =	stream.linear.gather [hbm4b:s8+s4], $0x3400, $0x38;
	[tilespmem:$0xD000] =	vst v63  }
0x17: {  	_ =	swait.ge [sflag:s19], $0x3400  }
0x18: {  	[sflag:s19] =	ssyncset.done $0x0  }
0x19: {  	[sflag:s19] =	ssyncadd.s32 $0xFFFFCC00  }
0x1a: {  	[spmem:s14], [sflag:s13] =	dma.local [hbm:s5], $0x500  }
0x1b: {  	_ =	swait.ge [sflag:s19], $0x500  }
0x1c: {  	[sflag:s19] =	ssyncset.done $0x0  }
0x1d: {  	[sflag:s19] =	ssyncadd.s32 $0xFFFFFB00  }
0x1e: {  	[bflag:$0x0] =	sbarrier.arrive $0xFFFF  }
0x1f: {  	[tilespmem:s16], [sflag:$0x1] =	stream.indirect.gather [hbm4b:s2+s15], $0x10, s4, s15, $0xb8;
	[tilespmem:$0xD000] =	vst v63  }
0x20: {  	_ = 	snop  }
0x21: {  	[tilespmem:s17], [sflag:$0x2] =	stream.indirect.gather [hbm4b:s2+s15], $0x10, s15, s15, $0xb8;
	[tilespmem:$0xD000] =	vst v63  }
0x22: {  	_ =	swait.ge [sflag:s18], $0x2000  }
0x23: {  	[sflag:s18] =	ssyncset.done $0x0  }
0x24: {  	s22 =	simm.s32 $0x3400;
	[sflag:s18] =	ssyncadd.s32 $0xFFFFE000  }
0x25: {  	[spmem:s3] =	stream.indirect.scatter.add.bf16 [tilespmem:s16], [sflag:$0x3], $0x10, s22, s15, $0xb8;
	[tilespmem:$0xD000] =	vst v63  }
0x26: {  	p0 =	sle.u32 s6, $0x2;
	s26 =	sadd.s32 $0xFFFFFFFF, s11;
	_ =	swait.ge [sflag:s19], $0x2000  }
0x27: {  	s25 =	simm.s32 $0x3600;
	s23 =	simm.s32 @!p0 $0x200;
	[sflag:s19] =	ssyncset.done $0x0  }
0x28: {  	s24 =	simm.s32 @!p0 $0x6800;
	s22 =	simm.s32 @!p0 $0x400;
	[sflag:s19] =	ssyncadd.s32 $0xFFFFE000  }
0x29: {  	[tilespmem:s24], [sflag:$0x1] =	stream.indirect.gather @!p0 [hbm4b:s2+s23], $0x10, s22, s23, $0xb8;
	[tilespmem:$0xD000] =	vst v63  }
0x2a: {  	p1 =	sle.u32 s6, $0x3;
	p0 =	sne.s32 s26, $0x0;
	_ =	swait.ge [sflag:s20], $0x2000  }
.Ltmp0:
0x2b: {  	s29 =	simm.s32 $0x600;
	[sflag:s20] =	ssyncset.done $0x0;
	(pc) =	sbr.rel @!p0 .LBB2_3-.Ltmp0, $4  }
0x2c: {  	s28 =	simm.s32 $0x600;
	s30 =	simm.s32 @!p1 $0x200;
	[sflag:s20] =	ssyncadd.s32 $0xFFFFE000  }
0x2d: {  	[spmem:s3] =	stream.indirect.scatter.add.bf16 [tilespmem:s17], [sflag:$0x3], $0x10, s25, s15, $0xb8;
	[tilespmem:$0xD000] =	vst v63  }
0x2e: {  	s31 =	simm.s32 @!p1 $0x8800;
	s22 =	simm.s32 $0x600;
	_ =	swait.ge [sflag:s19], $0x2000  }
0x2f: {  	s24 =	simm.s32 $0x3A00;
	s23 =	simm.s32 $0x5;
	[sflag:s19] =	ssyncset.done $0x0  }
.LBB2_2:
0x30: {  	s28 =	smov.u32 s22;
	s25 =	smov.u32 s24  }
0x31: {  	s26 =	sadd.s32 $0xFFFFFFFF, s26;
	s22 =	sadd.s32 $0x400, s22;
	[sflag:s19] =	ssyncadd.s32 $0xFFFFE000  }
0x32: {  	[tilespmem:s31], [sflag:$0x2] =	stream.indirect.gather @!p1 [hbm4b:s2+s30], $0x10, s29, s30, $0xb8;
	[tilespmem:$0xD000] =	vst v63  }
0x33: {  	p0 =	sne.s32 s26, $0x0;
	s29 =	smov.u32 s22;
	_ =	swait.ge [sflag:s18], $0x2000  }
0x34: {  	s30 =	sadd.s32 $0xFFFFFE00, s24;
	s31 =	smov.u32 s24;
	[sflag:s18] =	ssyncset.done $0x0  }
0x35: {  	s1 =	sadd.s32 $0xFFFFFFFF, s23;
	[sflag:s18] =	ssyncadd.s32 $0xFFFFE000  }
0x36: {  	[spmem:s3] =	stream.indirect.scatter.add.bf16 [tilespmem:s16], [sflag:$0x3], $0x10, s30, s15, $0xb8;
	[tilespmem:$0xD000] =	vst v63  }
0x37: {  	p1 =	sge.u32 s1, s6;
	_ =	swait.ge [sflag:s19], $0x2000  }
0x38: {  	s1 =	sadd.s32 @!p1 $0xFFFFFE00, s22;
	s30 =	simm.s32 @!p1 $0x200;
	[sflag:s19] =	ssyncset.done $0x0  }
0x39: {  	s0 =	simm.s32 @!p1 $0x6800;
	[sflag:s19] =	ssyncadd.s32 $0xFFFFE000  }
0x3a: {  	[tilespmem:s0], [sflag:$0x1] =	stream.indirect.gather @!p1 [hbm4b:s2+s30], $0x10, s1, s30, $0xb8;
	[tilespmem:$0xD000] =	vst v63  }
0x3b: {  	_ =	swait.ge [sflag:s20], $0x2000  }
.Ltmp1:
0x3c: {  	[sflag:s20] =	ssyncset.done $0x0;
	(pc) =	sbr.rel @p0 .LBB2_2-.Ltmp1, $4  }
0x3d: {  	s24 =	sadd.s32 $0x400, s24;
	[sflag:s20] =	ssyncadd.s32 $0xFFFFE000  }
0x3e: {  	[spmem:s3] =	stream.indirect.scatter.add.bf16 [tilespmem:s17], [sflag:$0x3], $0x10, s31, s15, $0xb8;
	[tilespmem:$0xD000] =	vst v63  }
0x3f: {  	p1 =	sge.u32 s23, s6;
	s23 =	sadd.s32 $0x2, s23;
	_ =	swait.ge [sflag:s19], $0x2000  }
0x40: {  	s30 =	simm.s32 @!p1 $0x200;
	s31 =	simm.s32 @!p1 $0x8800;
	[sflag:s19] =	ssyncset.done $0x0  }
.LBB2_3:
0x41: {  	[sflag:s19] =	ssyncadd.s32 $0xFFFFE000  }
0x42: {  	[tilespmem:s31], [sflag:$0x2] =	stream.indirect.gather @!p1 [hbm4b:s2+s30], $0x10, s29, s30, $0xb8;
	[tilespmem:$0xD000] =	vst v63  }
0x43: {  	_ =	swait.ge [sflag:s18], $0x2000  }
0x44: {  	[sflag:s18] =	ssyncset.done $0x0  }
0x45: {  	s0 =	sadd.s32 $0x200, s25;
	s31 =	sadd.s32 $0xFFFFFFFF, s23;
	[sflag:s18] =	ssyncadd.s32 $0xFFFFE000  }
0x46: {  	[spmem:s3] =	stream.indirect.scatter.add.bf16 [tilespmem:s16], [sflag:$0x3], $0x10, s0, s15, $0xb8;
	[tilespmem:$0xD000] =	vst v63  }
0x47: {  	p0 =	sge.u32 s31, s6;
	_ =	swait.ge [sflag:s19], $0x2000  }
0x48: {  	s1 =	simm.s32 @!p0 $0x200;
	[sflag:s19] =	ssyncset.done $0x0  }
0x49: {  	s25 =	simm.s32 @!p0 $0x6800;
	s0 =	sadd.s32 @!p0 $0x200, s28;
	[sflag:s19] =	ssyncadd.s32 $0xFFFFE000  }
0x4a: {  	[tilespmem:s25], [sflag:$0x1] =	stream.indirect.gather @!p0 [hbm4b:s2+s1], $0x10, s0, s1, $0xb8;
	[tilespmem:$0xD000] =	vst v63  }
0x4b: {  	_ =	swait.ge [sflag:s20], $0x2000  }
0x4c: {  	[sflag:s20] =	ssyncset.done $0x0  }
0x4d: {  	[sflag:s20] =	ssyncadd.s32 $0xFFFFE000  }
0x4e: {  	[spmem:s3] =	stream.indirect.scatter.add.bf16 [tilespmem:s17], [sflag:$0x3], $0x10, s24, s15, $0xb8;
	[tilespmem:$0xD000] =	vst v63  }
0x4f: {  	s21 =	sadd.s32 $0x1, s21;
	_ =	swait.ge [sflag:s19], $0x2000  }
0x50: {  	s0 =	sadd.s32 $0x400, s22;
	p0 =	sge.u32 s23, s6;
	[sflag:s19] =	ssyncset.done $0x0  }
0x51: {  	s1 =	simm.s32 @!p0 $0x200;
	s22 =	simm.s32 @!p0 $0x8800;
	[sflag:s19] =	ssyncadd.s32 $0xFFFFE000  }
0x52: {  	[tilespmem:s22], [sflag:$0x2] =	stream.indirect.gather @!p0 [hbm4b:s2+s1], $0x10, s0, s1, $0xb8;
	[tilespmem:$0xD000] =	vst v63  }
0x53: {  	p0 =	sne.s32 s21, s10  }
.Ltmp2:
0x54: {  	[bflag:$0x0] =	sbarrier.arrive $0xFFFF;
	(pc) =	sbr.rel @p0 .LBB2_1-.Ltmp2, $4  }
0x55: {  	[hbm:s9], [sflag:s13] =	dma.local [spmem:s14], $0x500  }
0x56: {  	_ =	swait.ge [sflag:s19], $0x500  }
0x57: {  	[sflag:s19] =	ssyncset.done $0x0  }
0x58: {  	[sflag:s19] =	ssyncadd.s32 $0xFFFFFB00  }
0x59: {  	_ =	sfence.sel $0x180000  }
0x5a: {  	[bflag:$0x0] =	sbarrier.arrive $0xFFFF  }
0x5b: {  	_ =	strace $0x9000004D  }
0x5c: {  	s0 =	stileid.u32;
	[bflag:$0x2] =	sbarrier.arrive $0xFFFF  }
0x5d: {  	p0 =	sne.s32 s0, $0x0;
	s0 =	rddreg [dreg:$0x3]  }
0x5e: {  	s0 =	sadd.s32 @!p0 $0x100000, s0  }
0x5f: {  	[sflag:s0] =	ssyncadd.tile.s32 @!p0 $0x1;
	_ =	shalt  }
.Lfunc_end2:
_tile_overlayer_lowered:
.L_overlay_start_2:
0x60: {  	(tag) =	ssettag $0x2  }
0x61: {  	s0 =	rddreg [dreg:$0x0];
	s2 =	stileid.u32  }
0x62: {  	s1 =	rddreg [dreg:$0x1];
	p0 =	sne.s32 s2, $0x0  }
0x63: {  	s3 =	rddreg [dreg:$0x2];
	[bflag:$0x3] =	sbarrier.arrive $0xFFFF;
	s2 =	simm.s32 @!p0 $0x1C03  }
0x64: {  	[timem:s3], [sflag:s2] =	dma.local @!p0 [hbm:s0], s1  }
0x65: {  	s0 =	simm.s32 @!p0 $0x3  }
0x66: {  	_ =	swait.ge @!p0 [sflag:s0], s1  }
0x67: {  	s1 =	ssub.s32 @!p0 $0x0, s1;
	[sflag:s0] =	ssyncset.done @!p0 $0x0  }
0x68: {  	[sflag:s0] =	ssyncadd.s32 @!p0 s1  }
0x69: {  	[bflag:$0x3] =	sbarrier.arrive $0xFFFF  }
0x6a: {  	_ =	shalt  }

// kernel: kernel.9.cloned.1.call-start
scs
__scs_entry_jumppad:
0x0: {  	(pc) =	sbr.rel $0x88, $3  }
0x1: {  	(tag) =	ssettag $0x0;
	lr =	simm.s32 $0x1  }
0x2: {  	[smem:$0x3F9B] =	sst lr;
	_ =	strace $0xD0000000  }
0x3: {  	_ = 	snop  }
0x4: {  	_ = 	snop  }
0x5: {  	_ = 	snop  }
0x6: {  	_ = 	snop  }
0x7: {  	_ = 	snop  }
__scs_overlays_trampoline_lowered:
0x8: {  	[smem:$0x3FAA] =	sst s0  }
0x9: {  	[smem:$0x3FAB] =	sst s1  }
0xa: {  	[smem:$0x3FAC] =	sst s2  }
0xb: {  	[smem:$0x3FAD] =	sst s3  }
0xc: {  	[smem:$0x3FAE] =	sst s4  }
0xd: {  	[smem:$0x3FAF] =	sst s5  }
0xe: {  	[smem:$0x3FB0] =	sst s6  }
0xf: {  	[smem:$0x3FB1] =	sst s7  }
0x10: {  	[smem:$0x3FB2] =	sst s8  }
0x11: {  	[smem:$0x3FB3] =	sst s9;
	s0 =	simm.s32 @!p0 $0x0  }
0x12: {  	s1 =	sld [smem:$0x3F99];
	s0 =	simm.s32 @p0 $0x1  }
0x13: {  	[smem:$0x3FB4] =	sst s0;
	s0 =	simm.s32 @!p1 $0x0  }
0x14: {  	s2 =	sld [smem:$0x3F98];
	s0 =	simm.s32 @p1 $0x1  }
0x15: {  	[smem:$0x3FB5] =	sst s0;
	s0 =	simm.s32 @!p2 $0x0  }
0x16: {  	s3 =	sld [smem:$0x3FDB];
	s0 =	simm.s32 @p2 $0x1  }
0x17: {  	s4 =	simm.s32 $0x1BF5;
	[smem:$0x3FB7] =	sst s0  }
0x18: {  	s0 =	sld [smem:$0x3F9A];
	_ =	swait.ge [sflag:s4], $0x0  }
0x19: {  	s7 =	sld [smem:$0x3F9B]  }
0x1a: {  	s8 =	sadd.s32 $0xFFFFE003, lr  }
0x1b: {  	s9 =	sadd.s32 $0xFFFFFEF7, lr;
	s5 =	simm.s32 $0xFFFFFFFF;
	p2 =	slt.u32 s8, $0xFFFFF086  }
0x1c: {  	p1 =	slt.u32 s9, $0xF7A;
	s5 =	simm.s32 @!p2 $0x0  }
0x1d: {  	s5 =	simm.s32 @p1 $0x1;
	p0 =	seq.s32 s7, s2  }
0x1e: {  	s7 =	smul.u32 @!p0 $0xF7A, s2;
	p2 =	seq.s32 @!p0 s5, $0x0  }
0x1f: {  	s9 =	smul.u32 $0xF7A, s1;
	s8 =	simm.s32 @!p0 $0x1BF5;
	p2 =	por !p2, p0  }
0x20: {  	[sflag:s8] =	ssyncset.s32 @!p0 $0xFFFFF086;
	s6 =	sadd.s32 @!p0 s3, s7;
	s7 =	simm.s32 @!p0 $0x108  }
0x21: {  	s3 =	sadd.s32 s3, s9;
	s6 =	sadd.s32 @!p0 $0x88, s6;
	s7 =	simm.s32 @p2 $0x1082  }
0x22: {  	[simem:s7], [sflag:s8] =	dma.local @!p0 [hbm:s6], $0xF7A  }
0x23: {  	s9 =	sor.u32 $0xD0000000, s2;
	s6 =	simm.s32 $0x108;
	_ =	swait.ge @!p0 [sflag:s8], $0x0  }
0x24: {  	s3 =	sadd.s32 $0x88, s3;
	s6 =	simm.s32 @!p1 $0x1082;
	[sflag:s4] =	ssyncset.s32 $0xFFFFF086  }
0x25: {  	[simem:s6], [sflag:s4] =	dma.local [hbm:s3], $0xF7A  }
0x26: {  	[smem:$0x3F9B] =	sst s1;
	(tag) =	ssettag s2;
	_ =	strace s9  }
0x27: {  	s1 =	sld [smem:$0x3FAB]  }
0x28: {  	s2 =	sld [smem:$0x3FAC]  }
0x29: {  	s4 =	sld [smem:$0x3FAE]  }
0x2a: {  	p0 =	seq.s32 s5, $0x0;
	s5 =	sld [smem:$0x3FAF]  }
0x2b: {  	s6 =	sld [smem:$0x3FB0]  }
0x2c: {  	s7 =	sld [smem:$0x3FB1]  }
0x2d: {  	s3 =	simm.s32 $0x108;
	s8 =	sld [smem:$0x3FB2]  }
0x2e: {  	s3 =	simm.s32 @!p0 $0x1082;
	s9 =	sld [smem:$0x3FB3]  }
0x2f: {  	lr =	sadd.s32 s0, s3;
	s0 =	sld [smem:$0x3FAA]  }
0x30: {  	s3 =	sld [smem:$0x3FAD]  }
0x31: {  	[smem:$0x3FB6] =	sst s10  }
0x32: {  	s10 =	sld [smem:$0x3FB4];
	_ =	sdelay $0x3  }
0x33: {  	p0 =	seq.s32 s10, $0x1;
	s10 =	sld [smem:$0x3FB6];
	_ =	sdelay $0x3  }
0x34: {  	[smem:$0x3FB6] =	sst s10  }
0x35: {  	s10 =	sld [smem:$0x3FB5];
	_ =	sdelay $0x3  }
0x36: {  	p1 =	seq.s32 s10, $0x1;
	s10 =	sld [smem:$0x3FB6];
	_ =	sdelay $0x3  }
0x37: {  	[smem:$0x3FB6] =	sst s10  }
0x38: {  	s10 =	sld [smem:$0x3FB7]  }
0x39: {  	_ = 	snop;
	(pc) =	sbr.ind lr, $3  }
0x3a: {  	_ = 	snop  }
0x3b: {  	_ = 	snop  }
0x3c: {  	p2 =	seq.s32 s10, $0x1;
	s10 =	sld [smem:$0x3FB6]  }
0x3d: {  	_ =	shalt  }
0x3e: {  	_ =	shalt  }
0x3f: {  	_ =	shalt  }
0x40: {  	_ =	shalt  }
0x41: {  	_ =	shalt  }
0x42: {  	_ =	shalt  }
0x43: {  	_ =	shalt  }
0x44: {  	_ =	shalt  }
0x45: {  	_ =	shalt  }
0x46: {  	_ =	shalt  }
0x47: {  	_ =	shalt  }
0x48: {  	_ =	shalt  }
0x49: {  	_ =	shalt  }
0x4a: {  	_ =	shalt  }
0x4b: {  	_ =	shalt  }
0x4c: {  	_ =	shalt  }
0x4d: {  	_ =	shalt  }
0x4e: {  	_ =	shalt  }
0x4f: {  	_ =	shalt  }
0x50: {  	_ =	shalt  }
0x51: {  	_ =	shalt  }
0x52: {  	_ =	shalt  }
0x53: {  	_ =	shalt  }
0x54: {  	_ =	shalt  }
0x55: {  	_ =	shalt  }
0x56: {  	_ =	shalt  }
0x57: {  	_ =	shalt  }
0x58: {  	_ =	shalt  }
0x59: {  	_ =	shalt  }
0x5a: {  	_ =	shalt  }
0x5b: {  	_ =	shalt  }
0x5c: {  	_ =	shalt  }
0x5d: {  	_ =	shalt  }
0x5e: {  	_ =	shalt  }
0x5f: {  	_ =	shalt  }
0x60: {  	_ =	shalt  }
0x61: {  	_ =	shalt  }
0x62: {  	_ =	shalt  }
0x63: {  	_ =	shalt  }
0x64: {  	_ =	shalt  }
0x65: {  	_ =	shalt  }
0x66: {  	_ =	shalt  }
0x67: {  	_ =	shalt  }
0x68: {  	_ =	shalt  }
0x69: {  	_ =	shalt  }
0x6a: {  	_ =	shalt  }
0x6b: {  	_ =	shalt  }
0x6c: {  	_ =	shalt  }
0x6d: {  	_ =	shalt  }
0x6e: {  	_ =	shalt  }
0x6f: {  	_ =	shalt  }
0x70: {  	_ =	shalt  }
0x71: {  	_ =	shalt  }
0x72: {  	_ =	shalt  }
0x73: {  	_ =	shalt  }
0x74: {  	_ =	shalt  }
0x75: {  	_ =	shalt  }
0x76: {  	_ =	shalt  }
0x77: {  	_ =	shalt  }
0x78: {  	_ =	shalt  }
0x79: {  	_ =	shalt  }
0x7a: {  	_ =	shalt  }
0x7b: {  	_ =	shalt  }
0x7c: {  	_ =	shalt  }
0x7d: {  	_ =	shalt  }
0x7e: {  	_ =	shalt  }
0x7f: {  	_ =	shalt  }
0x80: {  	_ =	shalt  }
0x81: {  	_ =	shalt  }
0x82: {  	_ =	shalt  }
0x83: {  	_ =	shalt  }
0x84: {  	_ =	shalt  }
0x85: {  	_ =	shalt  }
0x86: {  	_ =	shalt  }
0x87: {  	_ =	shalt  }
.Lfunc_end0:
.L_simem_size_0:
called_computation_lowered:
.L_overlay_start_0:
0x88: {  	s2 =	sld [smem:$0x3FD9]  }
0x89: {  	s3 =	sld [smem:$0x3FFE];
	_ =	sdelay $0x1  }
0x8a: {  	s1 =	srdreg.scid  }
0x8b: {  	s0 =	sand.u32 $0x1, s1  }
0x8c: {  	s17 =	sshll.u32 s0, $0xA;
	s2 =	sadd.s32 s3, s2  }
0x8d: {  	s2 =	sadd.s32 s2, s17  }
0x8e: {  	[smem:$0x3FC2] =	sst s2  }
0x8f: {  	_ = 	snop  }
0x90: {  	s2 =	sld [smem:$0x3FD0];
	(tm) =	ssettm $0x1  }
0x91: {  	s18 =	sld [smem:$0x3FFB];
	_ =	sdelay $0x3  }
0x92: {  	_ =	strace s18  }
0x93: {  	s3 =	sld [smem:$0x3FFC];
	_ =	sdelay $0x3  }
0x94: {  	_ =	strace s3  }
0x95: {  	s3 =	sld [smem:$0x3FFD];
	_ =	sdelay $0x3  }
0x96: {  	_ =	strace s3  }
0x97: {  	_ =	strace $0x8FFFFFFF  }
0x98: {  	s19 =	sld [smem:$0x3FDB];
	_ =	sdelay $0x1  }
0x99: {  	s4 =	simm.s32 $_scs_section_size  }
0x9a: {  	s5 =	simm.s32 $_size__tile_overlayer_lowered;
	s6 =	simm.s32 $_tile_overlayer_lowered  }
0x9b: {  	s22 =	simm.s32 $0x1BFF;
	s21 =	sshll.u32 s6, $0x1;
	s3 =	sadd.s32 s4, s19  }
0x9c: {  	s7 =	simm.s32 $0x0;
	s20 =	sshll.u32 s5, $0x1;
	s5 =	sadd.s32 s21, s3  }
0x9d: {  	[timem:s7], [sflag:s22] =	dma.local [hbm:s5], s20  }
0x9e: {  	_ =	swait.ge [sflag:s22], s20  }
0x9f: {  	s4 =	ssub.s32 $0x0, s20;
	[sflag:s22] =	ssyncset.done $0x0  }
0xa0: {  	[sflag:s22] =	ssyncadd.s32 s4;
	_ =	sdelay $0x1  }
0xa1: {  	s23 =	simm.s32 $0x1B8B  }
0xa2: {  	_ =	swait.ge [sflag:s23], $0x1  }
0xa3: {  	[sflag:s23] =	ssyncset.done $0x0  }
0xa4: {  	s25 =	simm.s32 $0x1B8E;
	s24 =	sld [smem:$0x3FFE];
	[sflag:s23] =	ssyncadd.s32 $0xFFFFFFFF  }
0xa5: {  	s26 =	simm.s32 $execute0_lowered;
	[smem:$0x3FD2] =	sst s25  }
0xa6: {  	s5 =	sshll.u32 s26, $0x1;
	_ =	strace $0x80000046;
	[dreg:$0x1] =	wrdreg $0xFFFFFFFF  }
0xa7: {  	s28 =	simm.s32 $_size_execute0_lowered;
	s3 =	sadd.s32 s3, s5;
	[dreg:$0x0] =	wrdreg $0x0  }
0xa8: {  	s5 =	sshll.u32 s28, $0x1;
	[dreg:$0x2] =	wrdreg s3  }
0xa9: {  	[dreg:$0x3] =	wrdreg s5  }
0xaa: {  	[dreg:$0x4] =	wrdreg $0xC0  }
0xab: {  	_ =	task [dreg:s7], $0x5FFFF  }
0xac: {  	[dreg:$0x1] =	wrdreg $0xFFFFFFFF  }
0xad: {  	[dreg:$0x0] =	wrdreg $0x60  }
0xae: {  	[dreg:$0x2] =	wrdreg s24  }
0xaf: {  	[dreg:$0x3] =	wrdreg s2  }
0xb0: {  	[dreg:$0x4] =	wrdreg $0x2C000  }
0xb1: {  	[dreg:$0x5] =	wrdreg $0x9  }
0xb2: {  	_ =	task.clear_ibuf [dreg:s7], $0x6FFFF;
	_ =	strace $0x90000046  }
0xb3: {  	s29 =	simm.s32 $0x9;
	_ =	strace $0x80000048  }
0xb4: {  	_ =	swait.ge [sflag:s29], $0x1  }
0xb5: {  	[sflag:s29] =	ssyncadd.s32 $0xFFFFFFFF  }
0xb6: {  	_ =	strace $0x90000048  }
0xb7: {  	_ =	sfence  }
0xb8: {  	s30 =	sld [smem:$0x0];
	_ =	sdelay $0x2  }
0xb9: {  	s31 =	sshll.u32 s1, $0xD;
	s1 =	sshrl.u32 s1, $0x2  }
0xba: {  	s3 =	sand.u32 $0x4000, s31;
	s1 =	sadd.s32 s1, s30  }
0xbb: {  	s0 =	sor.u32 s3, s0;
	s1 =	sshll.u32 s1, $0x11  }
0xbc: {  	s0 =	sor.u32 s1, s0  }
0xbd: {  	s0 =	sadd.s32 $0x8F2B, s0  }
0xbe: {  	[sflag:s0] =	ssyncadd.remote.s32 $0x1  }
0xbf: {  	_ =	sfence.sel $0xFFFF  }
0xc0: {  	[dreg:$0x0] =	wrdreg $0xFFFFFFFF;
	(pc) =	sbr.abs _section_cstart, $3  }
0xc1: {  	[dreg:$0x1] =	wrdreg $0xFFFFFFFF  }
0xc2: {  	_ =	task.clear_ibuf [dreg:s7], $0x2FFFF;
	_ =	strace $0x9FFFFFFF  }
0xc3: {  	(tm) =	ssettm $0x7FFFFFFF  }
tec
execute0_lowered:
.L_overlay_start_1:
0x0: {  	(tag) =	ssettag $0x1  }
0x1: {  	s5 =	rddreg [dreg:$0x0];
	s1 =	srdreg.scid  }
0x2: {  	s0 =	stileid.u32;
	s7 =	rddreg [dreg:$0x1]  }
0x3: {  	s2 =	rddreg [dreg:$0x2];
	s3 =	simm.s32 $0x0;
	s13 =	simm.s32 $0x80  }
0x4: {  	s14 =	simm.s32 $0x0;
	s4 =	sand.u32 $0x1, s1;
	s1 =	rddreg [dreg:$0x3]  }
0x5: {  	s29 =	sshll.u32 s0, $0x1;
	[smem:$0x7FF] =	sst s3;
	s8 =	smul.u32 $0x1400, s0  }
0x6: {  	s31 =	sshll.u32 s0, $0x6;
	s6 =	sor.u32 s4, s29;
	_ =	strace $0x80000047  }
0x7: {  	s9 =	ssub.s32 $0x2, s4;
	s10 =	smul.u32 $0x14000, s4;
	s4 =	sadd.s32 $0xBA00, s5  }
0x8: {  	s6 =	smul.u32 $0x500, s6;
	s11 =	sshrl.u32 s9, $0x1;
	s12 =	sadd.s32 s8, s2  }
0x9: {  	s9 =	ssub.s32 s9, s11;
	s10 =	sadd.s32 s8, s10;
	s11 =	sor.u32 $0x1C01, s31  }
0xa: {  	s12 =	sshrl.u32 s12, $0x3;
	s6 =	sadd.s32 s6, s5;
	s5 =	sadd.s32 $0xBC00, s5  }
0xb: {  	s30 =	sshrl.u32 s10, $0x3;
	s8 =	smax.u32 s9, $0x1;
	s9 =	simm.s32 $0x1  }
0xc: {  	s10 =	simm.s32 $0x2800;
	s6 =	sadd.s32 $0x1A00, s6;
	s7 =	sadd.s32 s7, s30  }
.LBB2_1:
0xd: {  	[tilespmem:s3], [sflag:$0x1] =	stream.linear.gather [hbm4b:s6+s3], $0x2800, $0x38;
	[tilespmem:$0x4000] =	vst v63  }
0xe: {  	_ =	swait.ge [sflag:s9], $0x2800  }
0xf: {  	[sflag:s9] =	ssyncset.done $0x0  }
0x10: {  	[sflag:s9] =	ssyncadd.s32 $0xFFFFD800  }
0x11: {  	[tilespmem:s10], [sflag:$0x1] =	stream.linear.gather [hbm4b:s4+s3], $0x400, $0x38;
	[tilespmem:$0x4000] =	vst v63  }
0x12: {  	_ =	swait.ge [sflag:s9], $0x400  }
0x13: {  	[sflag:s9] =	ssyncset.done $0x0  }
0x14: {  	[sflag:s9] =	ssyncadd.s32 $0xFFFFFC00  }
0x15: {  	[spmem:s12], [sflag:s11] =	dma.local [hbm:s5], $0x280  }
0x16: {  	_ =	swait.ge [sflag:s9], $0x280  }
0x17: {  	[sflag:s9] =	ssyncset.done $0x0  }
0x18: {  	[sflag:s9] =	ssyncadd.s32 $0xFFFFFD80  }
0x19: {  	s15 =	simm.s32 $0x0;
	[bflag:$0x0] =	sbarrier.arrive $0xFFFF  }
0x1a: {  	[spmem:s2] =	stream.indirect.scatter.add.f32 [tilespmem:s10], [sflag:$0x1], $0x8, s15, s13, $0xb8;
	[tilespmem:$0x4000] =	vst v63  }
0x1b: {  	_ =	swait.ge [sflag:s9], $0x400  }
0x1c: {  	s15 =	simm.s32 $0x200;
	[sflag:s9] =	ssyncset.done $0x0  }
.LBB2_2:
0x1d: {  	s16 =	sshra.s32 s15, $0x2;
	[sflag:s9] =	ssyncadd.s32 $0xFFFFFC00;
	p0 =	sne.s32 s15, $0x9E00  }
0x1e: {  	[spmem:s2] =	stream.indirect.scatter.add.f32 [tilespmem:s10], [sflag:$0x1], $0x8, s16, s13, $0xb8;
	[tilespmem:$0x4000] =	vst v63  }
.Ltmp0:
0x1f: {  	_ = 	snop;
	(pc) =	sbr.rel @p0 .LBB2_2-.Ltmp0, $4  }
0x20: {  	_ = 	snop  }
0x21: {  	s15 =	sadd.s32 $0x200, s15  }
0x22: {  	_ =	swait.ge [sflag:s9], $0x400  }
0x23: {  	[sflag:s9] =	ssyncset.done $0x0  }
0x24: {  	s14 =	sadd.s32 $0x1, s14  }
0x25: {  	[sflag:s9] =	ssyncadd.s32 $0xFFFFFC00;
	p0 =	sne.s32 s14, s8  }
.Ltmp1:
0x26: {  	[bflag:$0x0] =	sbarrier.arrive $0xFFFF;
	(pc) =	sbr.rel @p0 .LBB2_1-.Ltmp1, $4  }
0x27: {  	[hbm:s7], [sflag:s11] =	dma.local [spmem:s12], $0x280  }
0x28: {  	_ =	swait.ge [sflag:s9], $0x280  }
0x29: {  	[sflag:s9] =	ssyncset.done $0x0  }
0x2a: {  	[sflag:s9] =	ssyncadd.s32 $0xFFFFFD80  }
0x2b: {  	_ =	sfence.sel $0x180000  }
0x2c: {  	[bflag:$0x0] =	sbarrier.arrive $0xFFFF  }
0x2d: {  	p0 =	sne.s32 s0, $0x0;
	_ =	strace $0x90000047  }
0x2e: {  	s0 =	sadd.s32 @!p0 $0x100000, s1;
	[bflag:$0x2] =	sbarrier.arrive $0xFFFF  }
0x2f: {  	[sflag:s0] =	ssyncadd.tile.s32 @!p0 $0x1;
	_ =	shalt  }
.Lfunc_end2:
_tile_overlayer_lowered:
.L_overlay_start_2:
0x30: {  	(tag) =	ssettag $0x2  }
0x31: {  	s0 =	rddreg [dreg:$0x0];
	s2 =	stileid.u32  }
0x32: {  	s1 =	rddreg [dreg:$0x1];
	p0 =	sne.s32 s2, $0x0  }
0x33: {  	s3 =	rddreg [dreg:$0x2];
	[bflag:$0x3] =	sbarrier.arrive $0xFFFF;
	s2 =	simm.s32 @!p0 $0x1C01  }
0x34: {  	[timem:s3], [sflag:s2] =	dma.local @!p0 [hbm:s0], s1  }
0x35: {  	s0 =	simm.s32 @!p0 $0x1  }
0x36: {  	_ =	swait.ge @!p0 [sflag:s0], s1  }
0x37: {  	s1 =	ssub.s32 @!p0 $0x0, s1;
	[sflag:s0] =	ssyncset.done @!p0 $0x0  }
0x38: {  	[sflag:s0] =	ssyncadd.s32 @!p0 s1  }
0x39: {  	[bflag:$0x3] =	sbarrier.arrive $0xFFFF  }
0x3a: {  	_ =	shalt  }

</sc_bundles>
